<compile_context>
chip_gen: v7x
topology: tpu7x:2x2x1
jax: 0.10.2.dev20260603
libtpu: 0.0.44.dev20260713+nightly
codegen_flags: <defaults>
</compile_context>

<pallas_src>
import numpy as np
import jax
import jax.numpy as jnp
from jax.experimental import pallas as pl
from jax.experimental.pallas import tpu as pltpu

H = 200
W = 200
A = 3
C = 64
IMG = 800.0
STRIDE = 4.0
PRE_NMS = 2000
POST_NMS = 1000
NMS_THRESH = 0.7
MIN_SIZE = 1e-3
BBOX_XFORM_CLIP = float(np.log(1000.0 / 16.0))
HW = H * W
WP = 208
HW_PAD = 200 * 208
BN = 3200
NP = 2048


def _anchors_np():
    scales = np.array([32.0], np.float32)
    ratios = np.array([0.5, 1.0, 2.0], np.float32)
    h_r = np.sqrt(ratios)
    w_r = 1.0 / h_r
    ws = (w_r[:, None] * scales[None, :]).reshape(-1)
    hs = (h_r[:, None] * scales[None, :]).reshape(-1)
    base = np.round(np.stack([-ws, -hs, ws, hs], 1) / 2.0)
    sx = np.arange(W, dtype=np.float32) * STRIDE
    sy = np.arange(H, dtype=np.float32) * STRIDE
    yy, xx = np.meshgrid(sy, sx, indexing="ij")
    shifts = np.stack([xx.reshape(-1), yy.reshape(-1)] * 2, 1)
    return (shifts[:, None, :] + base[None, :, :]).reshape(-1, 4)


_ANCHORS = _anchors_np()


def _head_body(x_ref, wc_ref, bc_ref, wcls_ref, bcls_ref, wreg_ref, breg_ref,
               obj_ref, reg_ref):
    x = x_ref[...]
    t = jnp.dot(wc_ref[...], x, preferred_element_type=jnp.float32) + bc_ref[...]
    t = jnp.maximum(t, 0.0)
    obj_ref[...] = (jnp.dot(wcls_ref[...], t, preferred_element_type=jnp.float32)
                    + bcls_ref[...])
    reg_ref[...] = (jnp.dot(wreg_ref[...], t, preferred_element_type=jnp.float32)
                    + breg_ref[...])


def _decode_body(lg_ref, d_ref, a_ref, box_ref, sc_ref):
    a0 = a_ref[0:1, :]
    a1 = a_ref[1:2, :]
    a2 = a_ref[2:3, :]
    a3 = a_ref[3:4, :]
    d0 = d_ref[0:1, :]
    d1 = d_ref[1:2, :]
    d2 = d_ref[2:3, :]
    d3 = d_ref[3:4, :]
    wdt = a2 - a0
    hgt = a3 - a1
    cx = a0 + 0.5 * wdt
    cy = a1 + 0.5 * hgt
    dw = jnp.minimum(d2, BBOX_XFORM_CLIP)
    dh = jnp.minimum(d3, BBOX_XFORM_CLIP)
    pcx = d0 * wdt + cx
    pcy = d1 * hgt + cy
    pw = jnp.exp(dw) * wdt
    ph = jnp.exp(dh) * hgt
    x1 = jnp.clip(pcx - 0.5 * pw, 0.0, IMG)
    y1 = jnp.clip(pcy - 0.5 * ph, 0.0, IMG)
    x2 = jnp.clip(pcx + 0.5 * pw, 0.0, IMG)
    y2 = jnp.clip(pcy + 0.5 * ph, 0.0, IMG)
    box_ref[0:1, :] = x1
    box_ref[1:2, :] = y1
    box_ref[2:3, :] = x2
    box_ref[3:4, :] = y2
    valid = ((x2 - x1) >= MIN_SIZE) & ((y2 - y1) >= MIN_SIZE)
    sc_ref[...] = jnp.where(valid, jax.nn.sigmoid(lg_ref[...]), -jnp.inf)


def _nms_body(bx_ref, bc_ref, sc_ref, out_ref, tin_ref):
    x1 = bx_ref[0:1, :]
    y1 = bx_ref[1:2, :]
    x2 = bx_ref[2:3, :]
    y2 = bx_ref[3:4, :]
    area = (x2 - x1) * (y2 - y1)
    RB = 128
    ar = jax.lax.broadcasted_iota(jnp.int32, (1, NP), 1)
    arB = jax.lax.broadcasted_iota(jnp.int32, (1, RB), 1)
    ninf = jnp.float32(-jnp.inf)
    out_ref[...] = sc_ref[...]

    def block(b, _):
        r0 = b * RB
        rx1 = bc_ref[pl.ds(r0, RB), 0:1]
        ry1 = bc_ref[pl.ds(r0, RB), 1:2]
        rx2 = bc_ref[pl.ds(r0, RB), 2:3]
        ry2 = bc_ref[pl.ds(r0, RB), 3:4]
        iw = jnp.maximum(jnp.minimum(rx2, x2) - jnp.maximum(rx1, x1), 0.0)
        ih = jnp.maximum(jnp.minimum(ry2, y2) - jnp.maximum(ry1, y1), 0.0)
        inter = iw * ih
        r_area = (rx2 - rx1) * (ry2 - ry1)
        tile = inter / (r_area + area - inter + 1e-9)
        cx1 = bx_ref[0:1, pl.ds(r0, RB)]
        cy1 = bx_ref[1:2, pl.ds(r0, RB)]
        cx2 = bx_ref[2:3, pl.ds(r0, RB)]
        cy2 = bx_ref[3:4, pl.ds(r0, RB)]
        tiw = jnp.maximum(jnp.minimum(rx2, cx2) - jnp.maximum(rx1, cx1), 0.0)
        tih = jnp.maximum(jnp.minimum(ry2, cy2) - jnp.maximum(ry1, cy1), 0.0)
        tinter = tiw * tih
        carea = (cx2 - cx1) * (cy2 - cy1)
        tin_ref[...] = tinter / (r_area + carea - tinter + 1e-9)
        sb0 = out_ref[0:1, pl.ds(r0, RB)]

        def inner(i, sb):
            row = tin_ref[pl.ds(i, 1), :]
            keep_i = jnp.max(jnp.where(arB == i, sb, ninf)) > ninf
            sup = (row > NMS_THRESH) & (arB > i) & keep_i
            return jnp.where(sup, ninf, sb)

        sb = jax.lax.fori_loop(0, RB, inner, sb0)
        out_ref[0:1, pl.ds(r0, RB)] = sb
        keptf = jnp.isfinite(sb).astype(jnp.float32)
        gt = (tile > NMS_THRESH).astype(jnp.float32)
        cnt = jnp.dot(keptf, gt, preferred_element_type=jnp.float32)
        s = out_ref[...]
        out_ref[...] = jnp.where((cnt > 0.0) & (ar >= r0 + RB), ninf, s)
        return 0

    jax.lax.fori_loop(0, NP // RB, block, 0)


def kernel(images, features_0, W_conv, b_conv, W_cls, b_cls, W_reg, b_reg):
    xp = jnp.pad(features_0[0], ((0, 0), (1, 1), (1, 9)))
    cols = jnp.stack([xp[:, ky:ky + H, kx:kx + WP]
                      for ky in range(3) for kx in range(3)], 0)
    X = cols.reshape(9 * C, HW_PAD)
    W2 = W_conv.transpose(0, 2, 3, 1).reshape(C, 9 * C)

    obj, reg = pl.pallas_call(
        _head_body,
        grid=(HW_PAD // BN,),
        in_specs=[
            pl.BlockSpec((9 * C, BN), lambda j: (0, j)),
            pl.BlockSpec((C, 9 * C), lambda j: (0, 0)),
            pl.BlockSpec((C, 1), lambda j: (0, 0)),
            pl.BlockSpec((A, C), lambda j: (0, 0)),
            pl.BlockSpec((A, 1), lambda j: (0, 0)),
            pl.BlockSpec((A * 4, C), lambda j: (0, 0)),
            pl.BlockSpec((A * 4, 1), lambda j: (0, 0)),
        ],
        out_specs=[
            pl.BlockSpec((A, BN), lambda j: (0, j)),
            pl.BlockSpec((A * 4, BN), lambda j: (0, j)),
        ],
        out_shape=[
            jax.ShapeDtypeStruct((A, HW_PAD), jnp.float32),
            jax.ShapeDtypeStruct((A * 4, HW_PAD), jnp.float32),
        ],
    )(X, W2, b_conv[:, None], W_cls, b_cls[:, None], W_reg, b_reg[:, None])

    obj_flat = obj.reshape(A, H, WP)[:, :, :W].transpose(1, 2, 0).reshape(-1)
    deltas_flat = reg.reshape(A * 4, H, WP)[:, :, :W].transpose(1, 2, 0).reshape(HW * A, 4)

    top_logits, idx = jax.lax.top_k(obj_flat, PRE_NMS)
    anchors = jnp.asarray(_ANCHORS)
    a_sel = jnp.take(anchors, idx, axis=0).T
    d_sel = jnp.take(deltas_flat, idx, axis=0).T

    boxes_t, scores_m = pl.pallas_call(
        _decode_body,
        out_shape=[
            jax.ShapeDtypeStruct((4, PRE_NMS), jnp.float32),
            jax.ShapeDtypeStruct((1, PRE_NMS), jnp.float32),
        ],
    )(top_logits[None, :], d_sel, a_sel, )

    scores_m = scores_m[0]
    order = jnp.argsort(-scores_m)
    boxes_o = jnp.take(boxes_t.T, order, axis=0)
    scores_o = jnp.take(scores_m, order)

    bx = jnp.pad(boxes_o.T, ((0, 0), (0, NP - PRE_NMS)))
    bc = jnp.pad(boxes_o, ((0, NP - PRE_NMS), (0, 0)))
    sc = jnp.pad(scores_o, (0, NP - PRE_NMS), constant_values=-jnp.inf)[None, :]

    masked = pl.pallas_call(
        _nms_body,
        out_shape=jax.ShapeDtypeStruct((1, NP), jnp.float32),
        scratch_shapes=[pltpu.VMEM((128, 128), jnp.float32)],
    )(bx, bc, sc)

    final_scores, fidx = jax.lax.top_k(masked[0, :PRE_NMS], POST_NMS)
    final_boxes = jnp.take(boxes_o, fidx, axis=0)
    return final_boxes, final_scores, obj_flat, deltas_flat

# --- scband reference (transcript-rebuilt; emitter-appended) ---
"""Pipeline reference for scband-region-proposal-network-wrapper-70970039599786 (READ-ONLY COPY).

The authoritative reference and input builder live on the scoring server;
editing this copy changes nothing except your own understanding.
"""

import jax, jax.numpy as jnp
import numpy as np

H = 200
W = 200
A = 3
C = 64
IMG = 800.0
STRIDE = 4.0
PRE_NMS = 2000
POST_NMS = 1000
NMS_THRESH = 0.7
MIN_SIZE = 1e-3
BBOX_XFORM_CLIP = float(np.log(1000.0 / 16.0))


def setup_inputs(seed: int = 0):
    key = jax.random.key(seed)
    ks = jax.random.split(key, 8)
    images = jax.random.normal(ks[0], (1, 3, 800, 800), dtype=jnp.float32)
    features_0 = jax.random.normal(ks[1], (1, C, H, W), dtype=jnp.float32)
    W_conv = jax.random.normal(ks[2], (C, C, 3, 3), dtype=jnp.float32) * 0.02
    b_conv = jnp.zeros((C,), jnp.float32)
    W_cls = jax.random.normal(ks[3], (A, C), dtype=jnp.float32) * 0.02
    b_cls = jnp.zeros((A,), jnp.float32)
    W_reg = jax.random.normal(ks[4], (A * 4, C), dtype=jnp.float32) * 0.02
    b_reg = jnp.zeros((A * 4,), jnp.float32)
    return {'images': images, 'features_0': features_0, 'W_conv': W_conv, 'b_conv': b_conv,
            'W_cls': W_cls, 'b_cls': b_cls, 'W_reg': W_reg, 'b_reg': b_reg}


def _grid_anchors():
    # torchvision AnchorGenerator: sizes=(32,), aspect_ratios=(0.5,1.0,2.0)
    scales = jnp.array([32.0], dtype=jnp.float32)
    ratios = jnp.array([0.5, 1.0, 2.0], dtype=jnp.float32)
    h_r = jnp.sqrt(ratios)
    w_r = 1.0 / h_r
    ws = (w_r[:, None] * scales[None, :]).reshape(-1)
    hs = (h_r[:, None] * scales[None, :]).reshape(-1)
    base = jnp.round(jnp.stack([-ws, -hs, ws, hs], axis=1) / 2.0)
    sx = jnp.arange(W, dtype=jnp.float32) * STRIDE
    sy = jnp.arange(H, dtype=jnp.float32) * STRIDE
    yy, xx = jnp.meshgrid(sy, sx, indexing='ij')
    xs = xx.reshape(-1)
    ys = yy.reshape(-1)
    shifts = jnp.stack([xs, ys, xs, ys], axis=1)
    return (shifts[:, None, :] + base[None, :, :]).reshape(-1, 4)


def _decode(deltas, anchors):
    # torchvision BoxCoder.decode_single with weights (1,1,1,1)
    widths = anchors[:, 2] - anchors[:, 0]
    heights = anchors[:, 3] - anchors[:, 1]
    ctr_x = anchors[:, 0] + 0.5 * widths
    ctr_y = anchors[:, 1] + 0.5 * heights
    dx = deltas[:, 0]
    dy = deltas[:, 1]
    dw = jnp.minimum(deltas[:, 2], BBOX_XFORM_CLIP)
    dh = jnp.minimum(deltas[:, 3], BBOX_XFORM_CLIP)
    pcx = dx * widths + ctr_x
    pcy = dy * heights + ctr_y
    pw = jnp.exp(dw) * widths
    ph = jnp.exp(dh) * heights
    return jnp.stack([pcx - 0.5 * pw, pcy - 0.5 * ph, pcx + 0.5 * pw, pcy + 0.5 * ph], axis=1)


def _iou_matrix(boxes):
    area = (boxes[:, 2] - boxes[:, 0]) * (boxes[:, 3] - boxes[:, 1])
    lt = jnp.maximum(boxes[:, None, :2], boxes[None, :, :2])
    rb = jnp.minimum(boxes[:, None, 2:], boxes[None, :, 2:])
    wh = jnp.maximum(rb - lt, 0.0)
    inter = wh[..., 0] * wh[..., 1]
    return inter / (area[:, None] + area[None, :] - inter + 1e-9)


def reference(images, features_0, W_conv, b_conv, W_cls, b_cls, W_reg, b_reg):
    # RPN head: shared 3x3 conv + relu, then 1x1 cls and 1x1 bbox convs
    t = jax.lax.conv_general_dilated(features_0, W_conv, (1, 1), 'SAME',
                                     dimension_numbers=('NCHW', 'OIHW', 'NCHW'))
    t = jax.nn.relu(t + b_conv[None, :, None, None])
    objectness = jnp.einsum('nchw,oc->nohw', t, W_cls) + b_cls[None, :, None, None]
    pred_bbox_deltas = jnp.einsum('nchw,oc->nohw', t, W_reg) + b_reg[None, :, None, None]
    # concat_box_prediction_layers: permute_and_flatten to (HW*A,) / (HW*A, 4)
    obj_flat = objectness.reshape(1, A, 1, H, W).transpose(0, 3, 4, 1, 2).reshape(-1)
    deltas_flat = pred_bbox_deltas.reshape(1, A, 4, H, W).transpose(0, 3, 4, 1, 2).reshape(-1, 4)
    anchors = _grid_anchors()
    proposals = _decode(jax.lax.stop_gradient(deltas_flat), anchors)
    # filter_proposals (single level, eval path)
    logits = jax.lax.stop_gradient(obj_flat)
    top_logits, idx = jax.lax.top_k(logits, PRE_NMS)
    boxes = jnp.take(proposals, idx, axis=0)
    scores = jax.nn.sigmoid(top_logits)
    # clip_boxes_to_image
    x1 = jnp.clip(boxes[:, 0], 0.0, IMG)
    y1 = jnp.clip(boxes[:, 1], 0.0, IMG)
    x2 = jnp.clip(boxes[:, 2], 0.0, IMG)
    y2 = jnp.clip(boxes[:, 3], 0.0, IMG)
    boxes = jnp.stack([x1, y1, x2, y2], axis=1)
    # remove_small_boxes (mask via -inf score instead of dynamic removal)
    valid = ((boxes[:, 2] - boxes[:, 0]) >= MIN_SIZE) & ((boxes[:, 3] - boxes[:, 1]) >= MIN_SIZE)
    scores_m = jnp.where(valid, scores, -jnp.inf)
    order = jnp.argsort(-scores_m)
    boxes_o = jnp.take(boxes, order, axis=0)
    scores_o = jnp.take(scores_m, order, axis=0)
    # greedy NMS, iou_threshold = 0.7
    iou = _iou_matrix(boxes_o)
    keep0 = jnp.isfinite(scores_o)
    ar = jnp.arange(PRE_NMS)

    def body(i, keep):
        sup = (iou[i] > NMS_THRESH) & keep[i] & (ar > i)
        return keep & (~sup)

    keep = jax.lax.fori_loop(0, PRE_NMS, body, keep0)
    masked = jnp.where(keep, scores_o, -jnp.inf)
    final_scores, fidx = jax.lax.top_k(masked, POST_NMS)
    final_boxes = jnp.take(boxes_o, fidx, axis=0)
    # mirrors {'boxes', 'objectness', 'pred_bbox_deltas'} (labels/reg_targets None in eval)
    return final_boxes, final_scores, obj_flat, deltas_flat

if __name__ == "__main__":
    import jax
    _d = setup_inputs()
    print(jax.jit(kernel)(*tuple(_d.values())))

</pallas_src>

<mosaic_0001>
module attributes {stable_mosaic.version = 14 : i64} {
  func.func @_head_body(%arg0: i32, %arg1: memref<576x3200xf32, #tpu.memory_space<vmem>>, %arg2: memref<64x576xf32, #tpu.memory_space<vmem>>, %arg3: memref<64x1xf32, #tpu.memory_space<vmem>>, %arg4: memref<3x64xf32, #tpu.memory_space<vmem>>, %arg5: memref<3x1xf32, #tpu.memory_space<vmem>>, %arg6: memref<12x64xf32, #tpu.memory_space<vmem>>, %arg7: memref<12x1xf32, #tpu.memory_space<vmem>>, %arg8: memref<3x3200xf32, #tpu.memory_space<vmem>>, %arg9: memref<12x3200xf32, #tpu.memory_space<vmem>>) attributes {dimension_semantics = [#tpu.dimension_semantics<arbitrary>], iteration_bounds = array<i64: 13>, scalar_prefetch = 0 : i64, scratch_operands = 0 : i64, tpu.core_type = #tpu.core_type<tc>, window_params = [{transform_indices = @transform_0, window_bounds = array<i64: 576, 3200>}, {pipeline_mode = #tpu.pipeline_mode<synchronous>, transform_indices = @transform_1, window_bounds = array<i64: 64, 576>}, {pipeline_mode = #tpu.pipeline_mode<synchronous>, transform_indices = @transform_2, window_bounds = array<i64: 64, 1>}, {pipeline_mode = #tpu.pipeline_mode<synchronous>, transform_indices = @transform_3, window_bounds = array<i64: 3, 64>}, {pipeline_mode = #tpu.pipeline_mode<synchronous>, transform_indices = @transform_4, window_bounds = array<i64: 3, 1>}, {pipeline_mode = #tpu.pipeline_mode<synchronous>, transform_indices = @transform_5, window_bounds = array<i64: 12, 64>}, {pipeline_mode = #tpu.pipeline_mode<synchronous>, transform_indices = @transform_6, window_bounds = array<i64: 12, 1>}, {transform_indices = @transform_7, window_bounds = array<i64: 3, 3200>}, {transform_indices = @transform_8, window_bounds = array<i64: 12, 3200>}]} {
    %get3A = arith.constant 0 : index
    %get3A_0 = arith.constant 0 : index
    %get3A_1 = vector.load %arg1[%get3A, %get3A_0] : memref<576x3200xf32, #tpu.memory_space<vmem>>, vector<576x3200xf32>
    %get3A_2 = arith.constant 0 : index
    %get3A_3 = arith.constant 0 : index
    %get3A_4 = vector.load %arg2[%get3A_2, %get3A_3] : memref<64x576xf32, #tpu.memory_space<vmem>>, vector<64x576xf32>
    %dot_general3A = arith.constant dense<0.000000e+00> : vector<64x3200xf32>
    %dot_general3A_5 = tpu.matmul %get3A_4, %get3A_1, %dot_general3A {dimension_numbers = #tpu.dot_dimension_numbers<[1], [0], [0], [1], [0, 0, 1, 1], [], []>, transpose_lhs_hint = false} : vector<64x576xf32>, vector<576x3200xf32>, vector<64x3200xf32> -> vector<64x3200xf32>
    %get3A_6 = arith.constant 0 : index
    %get3A_7 = arith.constant 0 : index
    %get3A_8 = vector.load %arg3[%get3A_6, %get3A_7] : memref<64x1xf32, #tpu.memory_space<vmem>>, vector<64x1xf32>
    %add3A = vector.broadcast %get3A_8 : vector<64x1xf32> to vector<64x3200xf32>
    %add3A_9 = arith.addf %dot_general3A_5, %add3A : vector<64x3200xf32>
    %max3A = arith.constant 0.000000e+00 : f32
    %max3A_10 = vector.broadcast %max3A : f32 to vector<64x3200xf32>
    %max3A_11 = arith.maximumf %add3A_9, %max3A_10 : vector<64x3200xf32>
    %get3A_12 = arith.constant 0 : index
    %get3A_13 = arith.constant 0 : index
    %get3A_14 = vector.load %arg4[%get3A_12, %get3A_13] : memref<3x64xf32, #tpu.memory_space<vmem>>, vector<3x64xf32>
    %dot_general3A_15 = arith.constant dense<0.000000e+00> : vector<3x3200xf32>
    %dot_general3A_16 = tpu.matmul %get3A_14, %max3A_11, %dot_general3A_15 {dimension_numbers = #tpu.dot_dimension_numbers<[1], [0], [0], [1], [0, 0, 1, 1], [], []>, transpose_lhs_hint = false} : vector<3x64xf32>, vector<64x3200xf32>, vector<3x3200xf32> -> vector<3x3200xf32>
    %get3A_17 = arith.constant 0 : index
    %get3A_18 = arith.constant 0 : index
    %get3A_19 = vector.load %arg5[%get3A_17, %get3A_18] : memref<3x1xf32, #tpu.memory_space<vmem>>, vector<3x1xf32>
    %add3A_20 = vector.broadcast %get3A_19 : vector<3x1xf32> to vector<3x3200xf32>
    %add3A_21 = arith.addf %dot_general3A_16, %add3A_20 : vector<3x3200xf32>
    %swap3A = arith.constant 0 : index
    %swap3A_22 = arith.constant 0 : index
    %swap3A_23 = vector.load %arg8[%swap3A, %swap3A_22] : memref<3x3200xf32, #tpu.memory_space<vmem>>, vector<3x3200xf32>
    tpu.vector_store %arg8[%swap3A, %swap3A_22], %add3A_21 {strides = array<i32>} : memref<3x3200xf32, #tpu.memory_space<vmem>>, vector<3x3200xf32>,
    %get3A_24 = arith.constant 0 : index
    %get3A_25 = arith.constant 0 : index
    %get3A_26 = vector.load %arg6[%get3A_24, %get3A_25] : memref<12x64xf32, #tpu.memory_space<vmem>>, vector<12x64xf32>
    %dot_general3A_27 = arith.constant dense<0.000000e+00> : vector<12x3200xf32>
    %dot_general3A_28 = tpu.matmul %get3A_26, %max3A_11, %dot_general3A_27 {dimension_numbers = #tpu.dot_dimension_numbers<[1], [0], [0], [1], [0, 0, 1, 1], [], []>, transpose_lhs_hint = false} : vector<12x64xf32>, vector<64x3200xf32>, vector<12x3200xf32> -> vector<12x3200xf32>
    %get3A_29 = arith.constant 0 : index
    %get3A_30 = arith.constant 0 : index
    %get3A_31 = vector.load %arg7[%get3A_29, %get3A_30] : memref<12x1xf32, #tpu.memory_space<vmem>>, vector<12x1xf32>
    %add3A_32 = vector.broadcast %get3A_31 : vector<12x1xf32> to vector<12x3200xf32>
    %add3A_33 = arith.addf %dot_general3A_28, %add3A_32 : vector<12x3200xf32>
    %swap3A_34 = arith.constant 0 : index
    %swap3A_35 = arith.constant 0 : index
    %swap3A_36 = vector.load %arg9[%swap3A_34, %swap3A_35] : memref<12x3200xf32, #tpu.memory_space<vmem>>, vector<12x3200xf32>
    tpu.vector_store %arg9[%swap3A_34, %swap3A_35], %add3A_33 {strides = array<i32>} : memref<12x3200xf32, #tpu.memory_space<vmem>>, vector<12x3200xf32>,
    return
  }
  func.func @transform_0(%arg0: i32) -> (i32, i32) {
    %c0_i32 = arith.constant 0 : i32
    %c0_i32_0 = arith.constant 0 : i32
    return %c0_i32, %arg0 : i32, i32
  }
  func.func @transform_1(%arg0: i32) -> (i32, i32) {
    %c0_i32 = arith.constant 0 : i32
    %c0_i32_0 = arith.constant 0 : i32
    %c0_i32_1 = arith.constant 0 : i32
    return %c0_i32, %c0_i32_0 : i32, i32
  }
  func.func @transform_2(%arg0: i32) -> (i32, i32) {
    %c0_i32 = arith.constant 0 : i32
    %c0_i32_0 = arith.constant 0 : i32
    %c0_i32_1 = arith.constant 0 : i32
    return %c0_i32, %c0_i32_0 : i32, i32
  }
  func.func @transform_3(%arg0: i32) -> (i32, i32) {
    %c0_i32 = arith.constant 0 : i32
    %c0_i32_0 = arith.constant 0 : i32
    %c0_i32_1 = arith.constant 0 : i32
    return %c0_i32, %c0_i32_0 : i32, i32
  }
  func.func @transform_4(%arg0: i32) -> (i32, i32) {
    %c0_i32 = arith.constant 0 : i32
    %c0_i32_0 = arith.constant 0 : i32
    %c0_i32_1 = arith.constant 0 : i32
    return %c0_i32, %c0_i32_0 : i32, i32
  }
  func.func @transform_5(%arg0: i32) -> (i32, i32) {
    %c0_i32 = arith.constant 0 : i32
    %c0_i32_0 = arith.constant 0 : i32
    %c0_i32_1 = arith.constant 0 : i32
    return %c0_i32, %c0_i32_0 : i32, i32
  }
  func.func @transform_6(%arg0: i32) -> (i32, i32) {
    %c0_i32 = arith.constant 0 : i32
    %c0_i32_0 = arith.constant 0 : i32
    %c0_i32_1 = arith.constant 0 : i32
    return %c0_i32, %c0_i32_0 : i32, i32
  }
  func.func @transform_7(%arg0: i32) -> (i32, i32) {
    %c0_i32 = arith.constant 0 : i32
    %c0_i32_0 = arith.constant 0 : i32
    return %c0_i32, %arg0 : i32, i32
  }
  func.func @transform_8(%arg0: i32) -> (i32, i32) {
    %c0_i32 = arith.constant 0 : i32
    %c0_i32_0 = arith.constant 0 : i32
    return %c0_i32, %arg0 : i32, i32
  }
}

module attributes {stable_mosaic.version = 14 : i64} {
  func.func @_decode_body(%arg0: memref<1x2000xf32, #tpu.memory_space<vmem>>, %arg1: memref<4x2000xf32, #tpu.memory_space<vmem>>, %arg2: memref<4x2000xf32, #tpu.memory_space<vmem>>, %arg3: memref<4x2000xf32, #tpu.memory_space<vmem>>, %arg4: memref<1x2000xf32, #tpu.memory_space<vmem>>) attributes {dimension_semantics = [], scalar_prefetch = 0 : i64, scratch_operands = 0 : i64, tpu.core_type = #tpu.core_type<tc>} {
    %get3A = arith.constant 0 : index
    %get3A_0 = arith.constant 0 : index
    %get3A_1 = vector.load %arg2[%get3A, %get3A_0] : memref<4x2000xf32, #tpu.memory_space<vmem>>, vector<1x2000xf32>
    %get3A_2 = arith.constant 1 : index
    %get3A_3 = arith.constant 0 : index
    %get3A_4 = vector.load %arg2[%get3A_2, %get3A_3] : memref<4x2000xf32, #tpu.memory_space<vmem>>, vector<1x2000xf32>
    %get3A_5 = arith.constant 2 : index
    %get3A_6 = arith.constant 0 : index
    %get3A_7 = vector.load %arg2[%get3A_5, %get3A_6] : memref<4x2000xf32, #tpu.memory_space<vmem>>, vector<1x2000xf32>
    %get3A_8 = arith.constant 3 : index
    %get3A_9 = arith.constant 0 : index
    %get3A_10 = vector.load %arg2[%get3A_8, %get3A_9] : memref<4x2000xf32, #tpu.memory_space<vmem>>, vector<1x2000xf32>
    %get3A_11 = arith.constant 0 : index
    %get3A_12 = arith.constant 0 : index
    %get3A_13 = vector.load %arg1[%get3A_11, %get3A_12] : memref<4x2000xf32, #tpu.memory_space<vmem>>, vector<1x2000xf32>
    %get3A_14 = arith.constant 1 : index
    %get3A_15 = arith.constant 0 : index
    %get3A_16 = vector.load %arg1[%get3A_14, %get3A_15] : memref<4x2000xf32, #tpu.memory_space<vmem>>, vector<1x2000xf32>
    %get3A_17 = arith.constant 2 : index
    %get3A_18 = arith.constant 0 : index
    %get3A_19 = vector.load %arg1[%get3A_17, %get3A_18] : memref<4x2000xf32, #tpu.memory_space<vmem>>, vector<1x2000xf32>
    %get3A_20 = arith.constant 3 : index
    %get3A_21 = arith.constant 0 : index
    %get3A_22 = vector.load %arg1[%get3A_20, %get3A_21] : memref<4x2000xf32, #tpu.memory_space<vmem>>, vector<1x2000xf32>
    %sub3A = arith.subf %get3A_7, %get3A_1 : vector<1x2000xf32>
    %sub3A_23 = arith.subf %get3A_10, %get3A_4 : vector<1x2000xf32>
    %mul3A = arith.constant 5.000000e-01 : f32
    %mul3A_24 = vector.broadcast %mul3A : f32 to vector<1x2000xf32>
    %mul3A_25 = arith.mulf %mul3A_24, %sub3A : vector<1x2000xf32>
    %add3A = arith.addf %get3A_1, %mul3A_25 : vector<1x2000xf32>
    %mul3A_26 = arith.constant 5.000000e-01 : f32
    %mul3A_27 = vector.broadcast %mul3A_26 : f32 to vector<1x2000xf32>
    %mul3A_28 = arith.mulf %mul3A_27, %sub3A_23 : vector<1x2000xf32>
    %add3A_29 = arith.addf %get3A_4, %mul3A_28 : vector<1x2000xf32>
    %min3A = arith.constant 4.13516665 : f32
    %min3A_30 = vector.broadcast %min3A : f32 to vector<1x2000xf32>
    %min3A_31 = arith.minimumf %get3A_19, %min3A_30 : vector<1x2000xf32>
    %min3A_32 = arith.constant 4.13516665 : f32
    %min3A_33 = vector.broadcast %min3A_32 : f32 to vector<1x2000xf32>
    %min3A_34 = arith.minimumf %get3A_22, %min3A_33 : vector<1x2000xf32>
    %mul3A_35 = arith.mulf %get3A_13, %sub3A : vector<1x2000xf32>
    %add3A_36 = arith.addf %mul3A_35, %add3A : vector<1x2000xf32>
    %mul3A_37 = arith.mulf %get3A_16, %sub3A_23 : vector<1x2000xf32>
    %add3A_38 = arith.addf %mul3A_37, %add3A_29 : vector<1x2000xf32>
    %exp3A = math.exp %min3A_31 : vector<1x2000xf32>
    %mul3A_39 = arith.mulf %exp3A, %sub3A : vector<1x2000xf32>
    %exp3A_40 = math.exp %min3A_34 : vector<1x2000xf32>
    %mul3A_41 = arith.mulf %exp3A_40, %sub3A_23 : vector<1x2000xf32>
    %mul3A_42 = arith.constant 5.000000e-01 : f32
    %mul3A_43 = vector.broadcast %mul3A_42 : f32 to vector<1x2000xf32>
    %mul3A_44 = arith.mulf %mul3A_43, %mul3A_39 : vector<1x2000xf32>
    %sub3A_45 = arith.subf %add3A_36, %mul3A_44 : vector<1x2000xf32>
    %jit3A = arith.constant 0.000000e+00 : f32
    %jit3A_46 = arith.constant 8.000000e+02 : f32
    %max3A = vector.broadcast %jit3A : f32 to vector<1x2000xf32>
    %max3A_47 = arith.maximumf %max3A, %sub3A_45 : vector<1x2000xf32>
    %min3A_48 = vector.broadcast %jit3A_46 : f32 to vector<1x2000xf32>
    %min3A_49 = arith.minimumf %min3A_48, %max3A_47 : vector<1x2000xf32>
    %mul3A_50 = arith.constant 5.000000e-01 : f32
    %mul3A_51 = vector.broadcast %mul3A_50 : f32 to vector<1x2000xf32>
    %mul3A_52 = arith.mulf %mul3A_51, %mul3A_41 : vector<1x2000xf32>
    %sub3A_53 = arith.subf %add3A_38, %mul3A_52 : vector<1x2000xf32>
    %jit3A_54 = arith.constant 0.000000e+00 : f32
    %jit3A_55 = arith.constant 8.000000e+02 : f32
    %max3A_56 = vector.broadcast %jit3A_54 : f32 to vector<1x2000xf32>
    %max3A_57 = arith.maximumf %max3A_56, %sub3A_53 : vector<1x2000xf32>
    %min3A_58 = vector.broadcast %jit3A_55 : f32 to vector<1x2000xf32>
    %min3A_59 = arith.minimumf %min3A_58, %max3A_57 : vector<1x2000xf32>
    %mul3A_60 = arith.constant 5.000000e-01 : f32
    %mul3A_61 = vector.broadcast %mul3A_60 : f32 to vector<1x2000xf32>
    %mul3A_62 = arith.mulf %mul3A_61, %mul3A_39 : vector<1x2000xf32>
    %add3A_63 = arith.addf %add3A_36, %mul3A_62 : vector<1x2000xf32>
    %jit3A_64 = arith.constant 0.000000e+00 : f32
    %jit3A_65 = arith.constant 8.000000e+02 : f32
    %max3A_66 = vector.broadcast %jit3A_64 : f32 to vector<1x2000xf32>
    %max3A_67 = arith.maximumf %max3A_66, %add3A_63 : vector<1x2000xf32>
    %min3A_68 = vector.broadcast %jit3A_65 : f32 to vector<1x2000xf32>
    %min3A_69 = arith.minimumf %min3A_68, %max3A_67 : vector<1x2000xf32>
    %mul3A_70 = arith.constant 5.000000e-01 : f32
    %mul3A_71 = vector.broadcast %mul3A_70 : f32 to vector<1x2000xf32>
    %mul3A_72 = arith.mulf %mul3A_71, %mul3A_41 : vector<1x2000xf32>
    %add3A_73 = arith.addf %add3A_38, %mul3A_72 : vector<1x2000xf32>
    %jit3A_74 = arith.constant 0.000000e+00 : f32
    %jit3A_75 = arith.constant 8.000000e+02 : f32
    %max3A_76 = vector.broadcast %jit3A_74 : f32 to vector<1x2000xf32>
    %max3A_77 = arith.maximumf %max3A_76, %add3A_73 : vector<1x2000xf32>
    %min3A_78 = vector.broadcast %jit3A_75 : f32 to vector<1x2000xf32>
    %min3A_79 = arith.minimumf %min3A_78, %max3A_77 : vector<1x2000xf32>
    %swap3A = arith.constant 0 : index
    %swap3A_80 = arith.constant 0 : index
    %swap3A_81 = vector.load %arg3[%swap3A, %swap3A_80] : memref<4x2000xf32, #tpu.memory_space<vmem>>, vector<1x2000xf32>
    tpu.vector_store %arg3[%swap3A, %swap3A_80], %min3A_49 {strides = array<i32>} : memref<4x2000xf32, #tpu.memory_space<vmem>>, vector<1x2000xf32>,
    %swap3A_82 = arith.constant 1 : index
    %swap3A_83 = arith.constant 0 : index
    %swap3A_84 = vector.load %arg3[%swap3A_82, %swap3A_83] : memref<4x2000xf32, #tpu.memory_space<vmem>>, vector<1x2000xf32>
    tpu.vector_store %arg3[%swap3A_82, %swap3A_83], %min3A_59 {strides = array<i32>} : memref<4x2000xf32, #tpu.memory_space<vmem>>, vector<1x2000xf32>,
    %swap3A_85 = arith.constant 2 : index
    %swap3A_86 = arith.constant 0 : index
    %swap3A_87 = vector.load %arg3[%swap3A_85, %swap3A_86] : memref<4x2000xf32, #tpu.memory_space<vmem>>, vector<1x2000xf32>
    tpu.vector_store %arg3[%swap3A_85, %swap3A_86], %min3A_69 {strides = array<i32>} : memref<4x2000xf32, #tpu.memory_space<vmem>>, vector<1x2000xf32>,
    %swap3A_88 = arith.constant 3 : index
    %swap3A_89 = arith.constant 0 : index
    %swap3A_90 = vector.load %arg3[%swap3A_88, %swap3A_89] : memref<4x2000xf32, #tpu.memory_space<vmem>>, vector<1x2000xf32>
    tpu.vector_store %arg3[%swap3A_88, %swap3A_89], %min3A_79 {strides = array<i32>} : memref<4x2000xf32, #tpu.memory_space<vmem>>, vector<1x2000xf32>,
    %sub3A_91 = arith.subf %min3A_69, %min3A_49 : vector<1x2000xf32>
    %ge3A = arith.constant 1.000000e-03 : f32
    %ge3A_92 = vector.broadcast %ge3A : f32 to vector<1x2000xf32>
    %ge3A_93 = arith.cmpf oge, %sub3A_91, %ge3A_92 : vector<1x2000xf32>
    %sub3A_94 = arith.subf %min3A_79, %min3A_59 : vector<1x2000xf32>
    %ge3A_95 = arith.constant 1.000000e-03 : f32
    %ge3A_96 = vector.broadcast %ge3A_95 : f32 to vector<1x2000xf32>
    %ge3A_97 = arith.cmpf oge, %sub3A_94, %ge3A_96 : vector<1x2000xf32>
    %and3A = arith.andi %ge3A_93, %ge3A_97 : vector<1x2000xi1>
    %get3A_98 = arith.constant 0 : index
    %get3A_99 = arith.constant 0 : index
    %get3A_100 = vector.load %arg0[%get3A_98, %get3A_99] : memref<1x2000xf32, #tpu.memory_space<vmem>>, vector<1x2000xf32>
    %logistic3A = arith.negf %get3A_100 : vector<1x2000xf32>
    %logistic3A_101 = math.exp %logistic3A : vector<1x2000xf32>
    %logistic3A_102 = arith.constant 1.000000e+00 : f32
    %logistic3A_103 = vector.broadcast %logistic3A_102 : f32 to vector<1x2000xf32>
    %logistic3A_104 = arith.addf %logistic3A_103, %logistic3A_101 : vector<1x2000xf32>
    %logistic3A_105 = arith.divf %logistic3A_103, %logistic3A_104 : vector<1x2000xf32>
    %jit3A_106 = arith.constant 0xFF800000 : f32
    %broadcast_in_dim3A = vector.broadcast %jit3A_106 : f32 to vector<1x2000xf32>
    %select_n3A = arith.select %and3A, %logistic3A_105, %broadcast_in_dim3A : vector<1x2000xi1>, vector<1x2000xf32>
    %swap3A_107 = arith.constant 0 : index
    %swap3A_108 = arith.constant 0 : index
    %swap3A_109 = vector.load %arg4[%swap3A_107, %swap3A_108] : memref<1x2000xf32, #tpu.memory_space<vmem>>, vector<1x2000xf32>
    tpu.vector_store %arg4[%swap3A_107, %swap3A_108], %select_n3A {strides = array<i32>} : memref<1x2000xf32, #tpu.memory_space<vmem>>, vector<1x2000xf32>,
    return
  }
}

module attributes {stable_mosaic.version = 14 : i64} {
  func.func @_nms_body(%arg0: memref<4x2048xf32, #tpu.memory_space<vmem>>, %arg1: memref<2048x4xf32, #tpu.memory_space<vmem>>, %arg2: memref<1x2048xf32, #tpu.memory_space<vmem>>, %arg3: memref<1x2048xf32, #tpu.memory_space<vmem>>, %arg4: memref<128x128xf32, #tpu.memory_space<vmem>>) attributes {dimension_semantics = [], scalar_prefetch = 0 : i64, scratch_operands = 1 : i64, tpu.core_type = #tpu.core_type<tc>} {
    %get3A = arith.constant 0 : index
    %get3A_0 = arith.constant 0 : index
    %get3A_1 = vector.load %arg0[%get3A, %get3A_0] : memref<4x2048xf32, #tpu.memory_space<vmem>>, vector<1x2048xf32>
    %get3A_2 = arith.constant 1 : index
    %get3A_3 = arith.constant 0 : index
    %get3A_4 = vector.load %arg0[%get3A_2, %get3A_3] : memref<4x2048xf32, #tpu.memory_space<vmem>>, vector<1x2048xf32>
    %get3A_5 = arith.constant 2 : index
    %get3A_6 = arith.constant 0 : index
    %get3A_7 = vector.load %arg0[%get3A_5, %get3A_6] : memref<4x2048xf32, #tpu.memory_space<vmem>>, vector<1x2048xf32>
    %get3A_8 = arith.constant 3 : index
    %get3A_9 = arith.constant 0 : index
    %get3A_10 = vector.load %arg0[%get3A_8, %get3A_9] : memref<4x2048xf32, #tpu.memory_space<vmem>>, vector<1x2048xf32>
    %sub3A = arith.subf %get3A_7, %get3A_1 : vector<1x2048xf32>
    %sub3A_11 = arith.subf %get3A_10, %get3A_4 : vector<1x2048xf32>
    %mul3A = arith.mulf %sub3A, %sub3A_11 : vector<1x2048xf32>
    %iota3A = tpu.iota {dimensions = array<i32: 1>} : vector<1x2048xi32>
    %iota3A_12 = tpu.iota {dimensions = array<i32: 1>} : vector<1x128xi32>
    %get3A_13 = arith.constant 0 : index
    %get3A_14 = arith.constant 0 : index
    %get3A_15 = vector.load %arg2[%get3A_13, %get3A_14] : memref<1x2048xf32, #tpu.memory_space<vmem>>, vector<1x2048xf32>
    %swap3A = arith.constant 0 : index
    %swap3A_16 = arith.constant 0 : index
    %swap3A_17 = vector.load %arg3[%swap3A, %swap3A_16] : memref<1x2048xf32, #tpu.memory_space<vmem>>, vector<1x2048xf32>
    tpu.vector_store %arg3[%swap3A, %swap3A_16], %get3A_15 {strides = array<i32>} : memref<1x2048xf32, #tpu.memory_space<vmem>>, vector<1x2048xf32>,
    %scan3A = arith.constant 0xFF800000 : f32
    %scan3A_18 = arith.constant 0 : i32
    %scan3A_19 = arith.constant 16 : i32
    %scan3A_20 = arith.addi %scan3A_18, %scan3A_19 : i32
    %scan3A_21 = arith.constant 1 : i32
    scf.for %scan3A_23 = %scan3A_18 to %scan3A_20 step %scan3A_21  : i32 {
      %mul3A_24 = arith.constant 128 : i32
      %mul3A_25 = arith.muli %scan3A_23, %mul3A_24 : i32
      %get3A_26 = arith.index_cast %mul3A_25 : i32 to index
      %get3A_27 = arith.constant 0 : index
      %get3A_28 = vector.load %arg1[%get3A_26, %get3A_27] : memref<2048x4xf32, #tpu.memory_space<vmem>>, vector<128x1xf32>
      %get3A_29 = arith.index_cast %mul3A_25 : i32 to index
      %get3A_30 = arith.constant 1 : index
      %get3A_31 = vector.load %arg1[%get3A_29, %get3A_30] : memref<2048x4xf32, #tpu.memory_space<vmem>>, vector<128x1xf32>
      %get3A_32 = arith.index_cast %mul3A_25 : i32 to index
      %get3A_33 = arith.constant 2 : index
      %get3A_34 = vector.load %arg1[%get3A_32, %get3A_33] : memref<2048x4xf32, #tpu.memory_space<vmem>>, vector<128x1xf32>
      %get3A_35 = arith.index_cast %mul3A_25 : i32 to index
      %get3A_36 = arith.constant 3 : index
      %get3A_37 = vector.load %arg1[%get3A_35, %get3A_36] : memref<2048x4xf32, #tpu.memory_space<vmem>>, vector<128x1xf32>
      %min3A = vector.broadcast %get3A_34 : vector<128x1xf32> to vector<128x2048xf32>
      %min3A_38 = vector.broadcast %get3A_7 : vector<1x2048xf32> to vector<128x2048xf32>
      %min3A_39 = arith.minimumf %min3A, %min3A_38 : vector<128x2048xf32>
      %max3A = vector.broadcast %get3A_28 : vector<128x1xf32> to vector<128x2048xf32>
      %max3A_40 = vector.broadcast %get3A_1 : vector<1x2048xf32> to vector<128x2048xf32>
      %max3A_41 = arith.maximumf %max3A, %max3A_40 : vector<128x2048xf32>
      %sub3A_42 = arith.subf %min3A_39, %max3A_41 : vector<128x2048xf32>
      %max3A_43 = arith.constant 0.000000e+00 : f32
      %max3A_44 = vector.broadcast %max3A_43 : f32 to vector<128x2048xf32>
      %max3A_45 = arith.maximumf %sub3A_42, %max3A_44 : vector<128x2048xf32>
      %min3A_46 = vector.broadcast %get3A_37 : vector<128x1xf32> to vector<128x2048xf32>
      %min3A_47 = vector.broadcast %get3A_10 : vector<1x2048xf32> to vector<128x2048xf32>
      %min3A_48 = arith.minimumf %min3A_46, %min3A_47 : vector<128x2048xf32>
      %max3A_49 = vector.broadcast %get3A_31 : vector<128x1xf32> to vector<128x2048xf32>
      %max3A_50 = vector.broadcast %get3A_4 : vector<1x2048xf32> to vector<128x2048xf32>
      %max3A_51 = arith.maximumf %max3A_49, %max3A_50 : vector<128x2048xf32>
      %sub3A_52 = arith.subf %min3A_48, %max3A_51 : vector<128x2048xf32>
      %max3A_53 = arith.constant 0.000000e+00 : f32
      %max3A_54 = vector.broadcast %max3A_53 : f32 to vector<128x2048xf32>
      %max3A_55 = arith.maximumf %sub3A_52, %max3A_54 : vector<128x2048xf32>
      %mul3A_56 = arith.mulf %max3A_45, %max3A_55 : vector<128x2048xf32>
      %sub3A_57 = arith.subf %get3A_34, %get3A_28 : vector<128x1xf32>
      %sub3A_58 = arith.subf %get3A_37, %get3A_31 : vector<128x1xf32>
      %mul3A_59 = arith.mulf %sub3A_57, %sub3A_58 : vector<128x1xf32>
      %add3A = vector.broadcast %mul3A_59 : vector<128x1xf32> to vector<128x2048xf32>
      %add3A_60 = vector.broadcast %mul3A : vector<1x2048xf32> to vector<128x2048xf32>
      %add3A_61 = arith.addf %add3A, %add3A_60 : vector<128x2048xf32>
      %sub3A_62 = arith.subf %add3A_61, %mul3A_56 : vector<128x2048xf32>
      %add3A_63 = arith.constant 9.99999971E-10 : f32
      %add3A_64 = vector.broadcast %add3A_63 : f32 to vector<128x2048xf32>
      %add3A_65 = arith.addf %sub3A_62, %add3A_64 : vector<128x2048xf32>
      %div3A = arith.divf %mul3A_56, %add3A_65 : vector<128x2048xf32>
      %get3A_66 = arith.constant 0 : index
      %get3A_67 = arith.index_cast %mul3A_25 : i32 to index
      %get3A_68 = vector.load %arg0[%get3A_66, %get3A_67] : memref<4x2048xf32, #tpu.memory_space<vmem>>, vector<1x128xf32>
      %get3A_69 = arith.constant 1 : index
      %get3A_70 = arith.index_cast %mul3A_25 : i32 to index
      %get3A_71 = vector.load %arg0[%get3A_69, %get3A_70] : memref<4x2048xf32, #tpu.memory_space<vmem>>, vector<1x128xf32>
      %get3A_72 = arith.constant 2 : index
      %get3A_73 = arith.index_cast %mul3A_25 : i32 to index
      %get3A_74 = vector.load %arg0[%get3A_72, %get3A_73] : memref<4x2048xf32, #tpu.memory_space<vmem>>, vector<1x128xf32>
      %get3A_75 = arith.constant 3 : index
      %get3A_76 = arith.index_cast %mul3A_25 : i32 to index
      %get3A_77 = vector.load %arg0[%get3A_75, %get3A_76] : memref<4x2048xf32, #tpu.memory_space<vmem>>, vector<1x128xf32>
      %min3A_78 = vector.broadcast %get3A_34 : vector<128x1xf32> to vector<128x128xf32>
      %min3A_79 = vector.broadcast %get3A_74 : vector<1x128xf32> to vector<128x128xf32>
      %min3A_80 = arith.minimumf %min3A_78, %min3A_79 : vector<128x128xf32>
      %max3A_81 = vector.broadcast %get3A_28 : vector<128x1xf32> to vector<128x128xf32>
      %max3A_82 = vector.broadcast %get3A_68 : vector<1x128xf32> to vector<128x128xf32>
      %max3A_83 = arith.maximumf %max3A_81, %max3A_82 : vector<128x128xf32>
      %sub3A_84 = arith.subf %min3A_80, %max3A_83 : vector<128x128xf32>
      %max3A_85 = arith.constant 0.000000e+00 : f32
      %max3A_86 = vector.broadcast %max3A_85 : f32 to vector<128x128xf32>
      %max3A_87 = arith.maximumf %sub3A_84, %max3A_86 : vector<128x128xf32>
      %min3A_88 = vector.broadcast %get3A_37 : vector<128x1xf32> to vector<128x128xf32>
      %min3A_89 = vector.broadcast %get3A_77 : vector<1x128xf32> to vector<128x128xf32>
      %min3A_90 = arith.minimumf %min3A_88, %min3A_89 : vector<128x128xf32>
      %max3A_91 = vector.broadcast %get3A_31 : vector<128x1xf32> to vector<128x128xf32>
      %max3A_92 = vector.broadcast %get3A_71 : vector<1x128xf32> to vector<128x128xf32>
      %max3A_93 = arith.maximumf %max3A_91, %max3A_92 : vector<128x128xf32>
      %sub3A_94 = arith.subf %min3A_90, %max3A_93 : vector<128x128xf32>
      %max3A_95 = arith.constant 0.000000e+00 : f32
      %max3A_96 = vector.broadcast %max3A_95 : f32 to vector<128x128xf32>
      %max3A_97 = arith.maximumf %sub3A_94, %max3A_96 : vector<128x128xf32>
      %mul3A_98 = arith.mulf %max3A_87, %max3A_97 : vector<128x128xf32>
      %sub3A_99 = arith.subf %get3A_74, %get3A_68 : vector<1x128xf32>
      %sub3A_100 = arith.subf %get3A_77, %get3A_71 : vector<1x128xf32>
      %mul3A_101 = arith.mulf %sub3A_99, %sub3A_100 : vector<1x128xf32>
      %add3A_102 = vector.broadcast %mul3A_59 : vector<128x1xf32> to vector<128x128xf32>
      %add3A_103 = vector.broadcast %mul3A_101 : vector<1x128xf32> to vector<128x128xf32>
      %add3A_104 = arith.addf %add3A_102, %add3A_103 : vector<128x128xf32>
      %sub3A_105 = arith.subf %add3A_104, %mul3A_98 : vector<128x128xf32>
      %add3A_106 = arith.constant 9.99999971E-10 : f32
      %add3A_107 = vector.broadcast %add3A_106 : f32 to vector<128x128xf32>
      %add3A_108 = arith.addf %sub3A_105, %add3A_107 : vector<128x128xf32>
      %div3A_109 = arith.divf %mul3A_98, %add3A_108 : vector<128x128xf32>
      %swap3A_110 = arith.constant 0 : index
      %swap3A_111 = arith.constant 0 : index
      %swap3A_112 = vector.load %arg4[%swap3A_110, %swap3A_111] : memref<128x128xf32, #tpu.memory_space<vmem>>, vector<128x128xf32>
      tpu.vector_store %arg4[%swap3A_110, %swap3A_111], %div3A_109 {strides = array<i32>} : memref<128x128xf32, #tpu.memory_space<vmem>>, vector<128x128xf32>,
      %get3A_113 = arith.constant 0 : index
      %get3A_114 = arith.index_cast %mul3A_25 : i32 to index
      %get3A_115 = vector.load %arg3[%get3A_113, %get3A_114] : memref<1x2048xf32, #tpu.memory_space<vmem>>, vector<1x128xf32>
      %scan3A_116 = arith.constant 0 : i32
      %scan3A_117 = arith.constant 128 : i32
      %scan3A_118 = arith.addi %scan3A_116, %scan3A_117 : i32
      %scan3A_119 = arith.constant 1 : i32
      %scan3A_120 = scf.for %scan3A_145 = %scan3A_116 to %scan3A_118 step %scan3A_119 iter_args(%scan3A_146 = %get3A_115) -> (vector<1x128xf32>)  : i32 {
        %get3A_147 = arith.index_cast %scan3A_145 : i32 to index
        %get3A_148 = arith.constant 0 : index
        %get3A_149 = vector.load %arg4[%get3A_147, %get3A_148] : memref<128x128xf32, #tpu.memory_space<vmem>>, vector<1x128xf32>
        %eq3A = vector.broadcast %scan3A_145 : i32 to vector<1x128xi32>
        %eq3A_150 = arith.cmpi eq, %iota3A_12, %eq3A : vector<1x128xi32>
        %broadcast_in_dim3A_151 = vector.broadcast %scan3A : f32 to vector<1x128xf32>
        %select_n3A_152 = arith.select %eq3A_150, %scan3A_146, %broadcast_in_dim3A_151 : vector<1x128xi1>, vector<1x128xf32>
        %reduce_max3A = vector.shape_cast %select_n3A_152 : vector<1x128xf32> to vector<1x1x128xf32>
        %reduce_max3A_153 = arith.constant dense<0xFF800000> : vector<1xf32>
        %reduce_max3A_154 = vector.multi_reduction <maximumf>, %reduce_max3A, %reduce_max3A_153 [1, 2] : vector<1x1x128xf32> to vector<1xf32>
        %reduce_max3A_155 = vector.shape_cast %reduce_max3A_154 : vector<1xf32> to vector<1x1x1xf32>
        %reduce_max3A_156 = vector.extract %reduce_max3A_155[0, 0, 0] : f32 from vector<1x1x1xf32>
        %gt3A_157 = arith.cmpf ogt, %reduce_max3A_156, %scan3A : f32
        %gt3A_158 = arith.constant 0.699999988 : f32
        %gt3A_159 = vector.broadcast %gt3A_158 : f32 to vector<1x128xf32>
        %gt3A_160 = arith.cmpf ogt, %get3A_149, %gt3A_159 : vector<1x128xf32>
        %gt3A_161 = vector.broadcast %scan3A_145 : i32 to vector<1x128xi32>
        %gt3A_162 = arith.cmpi sgt, %iota3A_12, %gt3A_161 : vector<1x128xi32>
        %and3A_163 = arith.andi %gt3A_160, %gt3A_162 : vector<1x128xi1>
        %and3A_164 = vector.broadcast %gt3A_157 : i1 to vector<1x128xi1>
        %and3A_165 = arith.andi %and3A_163, %and3A_164 : vector<1x128xi1>
        %broadcast_in_dim3A_166 = vector.broadcast %scan3A : f32 to vector<1x128xf32>
        %select_n3A_167 = arith.select %and3A_165, %broadcast_in_dim3A_166, %scan3A_146 : vector<1x128xi1>, vector<1x128xf32>
        scf.yield %select_n3A_167 : vector<1x128xf32>
      }
      %scan3A_121 = arith.constant 128 : i32
      %swap3A_122 = arith.constant 0 : index
      %swap3A_123 = arith.index_cast %mul3A_25 : i32 to index
      %swap3A_124 = vector.load %arg3[%swap3A_122, %swap3A_123] : memref<1x2048xf32, #tpu.memory_space<vmem>>, vector<1x128xf32>
      tpu.vector_store %arg3[%swap3A_122, %swap3A_123], %scan3A_120 {strides = array<i32>} : memref<1x2048xf32, #tpu.memory_space<vmem>>, vector<1x128xf32>,
      %is_finite3A = tpu.weird %scan3A_120 : vector<1x128xf32> -> vector<1x128xi1>
      %is_finite3A_125 = arith.constant dense<true> : vector<1x128xi1>
      %is_finite3A_126 = arith.xori %is_finite3A, %is_finite3A_125 : vector<1x128xi1>
      %convert_element_type3A = arith.extui %is_finite3A_126 : vector<1x128xi1> to vector<1x128xi32>
      %convert_element_type3A_127 = arith.sitofp %convert_element_type3A : vector<1x128xi32> to vector<1x128xf32>
      %gt3A = arith.constant 0.699999988 : f32
      %gt3A_128 = vector.broadcast %gt3A : f32 to vector<128x2048xf32>
      %gt3A_129 = arith.cmpf ogt, %div3A, %gt3A_128 : vector<128x2048xf32>
      %convert_element_type3A_130 = arith.extui %gt3A_129 : vector<128x2048xi1> to vector<128x2048xi32>
      %convert_element_type3A_131 = arith.sitofp %convert_element_type3A_130 : vector<128x2048xi32> to vector<128x2048xf32>
      %dot_general3A = arith.constant dense<0.000000e+00> : vector<1x2048xf32>
      %dot_general3A_132 = tpu.matmul %convert_element_type3A_127, %convert_element_type3A_131, %dot_general3A {dimension_numbers = #tpu.dot_dimension_numbers<[1], [0], [0], [1], [0, 0, 1, 1], [], []>, transpose_lhs_hint = false} : vector<1x128xf32>, vector<128x2048xf32>, vector<1x2048xf32> -> vector<1x2048xf32>
      %get3A_133 = arith.constant 0 : index
      %get3A_134 = arith.constant 0 : index
      %get3A_135 = vector.load %arg3[%get3A_133, %get3A_134] : memref<1x2048xf32, #tpu.memory_space<vmem>>, vector<1x2048xf32>
      %gt3A_136 = arith.constant 0.000000e+00 : f32
      %gt3A_137 = vector.broadcast %gt3A_136 : f32 to vector<1x2048xf32>
      %gt3A_138 = arith.cmpf ogt, %dot_general3A_132, %gt3A_137 : vector<1x2048xf32>
      %add3A_139 = arith.constant 128 : i32
      %add3A_140 = arith.addi %mul3A_25, %add3A_139 : i32
      %ge3A = vector.broadcast %add3A_140 : i32 to vector<1x2048xi32>
      %ge3A_141 = arith.cmpi sge, %iota3A, %ge3A : vector<1x2048xi32>
      %and3A = arith.andi %gt3A_138, %ge3A_141 : vector<1x2048xi1>
      %broadcast_in_dim3A = vector.broadcast %scan3A : f32 to vector<1x2048xf32>
      %select_n3A = arith.select %and3A, %broadcast_in_dim3A, %get3A_135 : vector<1x2048xi1>, vector<1x2048xf32>
      %swap3A_142 = arith.constant 0 : index
      %swap3A_143 = arith.constant 0 : index
      %swap3A_144 = vector.load %arg3[%swap3A_142, %swap3A_143] : memref<1x2048xf32, #tpu.memory_space<vmem>>, vector<1x2048xf32>
      tpu.vector_store %arg3[%swap3A_142, %swap3A_143], %select_n3A {strides = array<i32>} : memref<1x2048xf32, #tpu.memory_space<vmem>>, vector<1x2048xf32>,
    }
    %scan3A_22 = arith.constant 16 : i32
    return
  }
}

</mosaic_0001>

<sc_bundles>
// kernel: gather_offload_async_start.1
scs
__scs_entry_jumppad:
0x0: {  	(pc) =	sbr.rel $0x88, $3  }
0x1: {  	(tag) =	ssettag $0x0;
	lr =	simm.s32 $0x1  }
0x2: {  	[smem:$0x3F9A] =	sst lr;
	_ =	strace $0xD0000000  }
0x3: {  	_ = 	snop  }
0x4: {  	_ = 	snop  }
0x5: {  	_ = 	snop  }
0x6: {  	_ = 	snop  }
0x7: {  	_ = 	snop  }
__scs_overlays_trampoline_lowered:
0x8: {  	[smem:$0x3FA9] =	sst s0  }
0x9: {  	[smem:$0x3FAA] =	sst s1  }
0xa: {  	[smem:$0x3FAB] =	sst s2  }
0xb: {  	[smem:$0x3FAC] =	sst s3  }
0xc: {  	[smem:$0x3FAD] =	sst s4  }
0xd: {  	[smem:$0x3FAE] =	sst s5  }
0xe: {  	[smem:$0x3FAF] =	sst s6  }
0xf: {  	[smem:$0x3FB0] =	sst s7  }
0x10: {  	[smem:$0x3FB1] =	sst s8  }
0x11: {  	[smem:$0x3FB2] =	sst s9;
	s0 =	simm.s32 @!p0 $0x0  }
0x12: {  	s1 =	sld [smem:$0x3F98];
	s0 =	simm.s32 @p0 $0x1  }
0x13: {  	[smem:$0x3FB3] =	sst s0;
	s0 =	simm.s32 @!p1 $0x0  }
0x14: {  	s2 =	sld [smem:$0x3F97];
	s0 =	simm.s32 @p1 $0x1  }
0x15: {  	[smem:$0x3FB4] =	sst s0;
	s0 =	simm.s32 @!p2 $0x0  }
0x16: {  	s3 =	sld [smem:$0x3FDB];
	s0 =	simm.s32 @p2 $0x1  }
0x17: {  	s4 =	simm.s32 $0x1BF5;
	[smem:$0x3FB6] =	sst s0  }
0x18: {  	s0 =	sld [smem:$0x3F99];
	_ =	swait.ge [sflag:s4], $0x0  }
0x19: {  	s7 =	sld [smem:$0x3F9A]  }
0x1a: {  	s8 =	sadd.s32 $0xFFFFE003, lr  }
0x1b: {  	s9 =	sadd.s32 $0xFFFFFEF7, lr;
	s5 =	simm.s32 $0xFFFFFFFF;
	p2 =	slt.u32 s8, $0xFFFFF086  }
0x1c: {  	p1 =	slt.u32 s9, $0xF7A;
	s5 =	simm.s32 @!p2 $0x0  }
0x1d: {  	s5 =	simm.s32 @p1 $0x1;
	p0 =	seq.s32 s7, s2  }
0x1e: {  	s7 =	smul.u32 @!p0 $0xF7A, s2;
	p2 =	seq.s32 @!p0 s5, $0x0  }
0x1f: {  	s9 =	smul.u32 $0xF7A, s1;
	s8 =	simm.s32 @!p0 $0x1BF5;
	p2 =	por !p2, p0  }
0x20: {  	[sflag:s8] =	ssyncset.s32 @!p0 $0xFFFFF086;
	s6 =	sadd.s32 @!p0 s3, s7;
	s7 =	simm.s32 @!p0 $0x108  }
0x21: {  	s3 =	sadd.s32 s3, s9;
	s6 =	sadd.s32 @!p0 $0x88, s6;
	s7 =	simm.s32 @p2 $0x1082  }
0x22: {  	[simem:s7], [sflag:s8] =	dma.local @!p0 [hbm:s6], $0xF7A  }
0x23: {  	s9 =	sor.u32 $0xD0000000, s2;
	s6 =	simm.s32 $0x108;
	_ =	swait.ge @!p0 [sflag:s8], $0x0  }
0x24: {  	s3 =	sadd.s32 $0x88, s3;
	s6 =	simm.s32 @!p1 $0x1082;
	[sflag:s4] =	ssyncset.s32 $0xFFFFF086  }
0x25: {  	[simem:s6], [sflag:s4] =	dma.local [hbm:s3], $0xF7A  }
0x26: {  	[smem:$0x3F9A] =	sst s1;
	(tag) =	ssettag s2;
	_ =	strace s9  }
0x27: {  	s1 =	sld [smem:$0x3FAA]  }
0x28: {  	s2 =	sld [smem:$0x3FAB]  }
0x29: {  	s4 =	sld [smem:$0x3FAD]  }
0x2a: {  	p0 =	seq.s32 s5, $0x0;
	s5 =	sld [smem:$0x3FAE]  }
0x2b: {  	s6 =	sld [smem:$0x3FAF]  }
0x2c: {  	s7 =	sld [smem:$0x3FB0]  }
0x2d: {  	s3 =	simm.s32 $0x108;
	s8 =	sld [smem:$0x3FB1]  }
0x2e: {  	s3 =	simm.s32 @!p0 $0x1082;
	s9 =	sld [smem:$0x3FB2]  }
0x2f: {  	lr =	sadd.s32 s0, s3;
	s0 =	sld [smem:$0x3FA9]  }
0x30: {  	s3 =	sld [smem:$0x3FAC]  }
0x31: {  	[smem:$0x3FB5] =	sst s10  }
0x32: {  	s10 =	sld [smem:$0x3FB3];
	_ =	sdelay $0x3  }
0x33: {  	p0 =	seq.s32 s10, $0x1;
	s10 =	sld [smem:$0x3FB5];
	_ =	sdelay $0x3  }
0x34: {  	[smem:$0x3FB5] =	sst s10  }
0x35: {  	s10 =	sld [smem:$0x3FB4];
	_ =	sdelay $0x3  }
0x36: {  	p1 =	seq.s32 s10, $0x1;
	s10 =	sld [smem:$0x3FB5];
	_ =	sdelay $0x3  }
0x37: {  	[smem:$0x3FB5] =	sst s10  }
0x38: {  	s10 =	sld [smem:$0x3FB6]  }
0x39: {  	_ = 	snop;
	(pc) =	sbr.ind lr, $3  }
0x3a: {  	_ = 	snop  }
0x3b: {  	_ = 	snop  }
0x3c: {  	p2 =	seq.s32 s10, $0x1;
	s10 =	sld [smem:$0x3FB5]  }
0x3d: {  	_ =	shalt  }
0x3e: {  	_ =	shalt  }
0x3f: {  	_ =	shalt  }
0x40: {  	_ =	shalt  }
0x41: {  	_ =	shalt  }
0x42: {  	_ =	shalt  }
0x43: {  	_ =	shalt  }
0x44: {  	_ =	shalt  }
0x45: {  	_ =	shalt  }
0x46: {  	_ =	shalt  }
0x47: {  	_ =	shalt  }
0x48: {  	_ =	shalt  }
0x49: {  	_ =	shalt  }
0x4a: {  	_ =	shalt  }
0x4b: {  	_ =	shalt  }
0x4c: {  	_ =	shalt  }
0x4d: {  	_ =	shalt  }
0x4e: {  	_ =	shalt  }
0x4f: {  	_ =	shalt  }
0x50: {  	_ =	shalt  }
0x51: {  	_ =	shalt  }
0x52: {  	_ =	shalt  }
0x53: {  	_ =	shalt  }
0x54: {  	_ =	shalt  }
0x55: {  	_ =	shalt  }
0x56: {  	_ =	shalt  }
0x57: {  	_ =	shalt  }
0x58: {  	_ =	shalt  }
0x59: {  	_ =	shalt  }
0x5a: {  	_ =	shalt  }
0x5b: {  	_ =	shalt  }
0x5c: {  	_ =	shalt  }
0x5d: {  	_ =	shalt  }
0x5e: {  	_ =	shalt  }
0x5f: {  	_ =	shalt  }
0x60: {  	_ =	shalt  }
0x61: {  	_ =	shalt  }
0x62: {  	_ =	shalt  }
0x63: {  	_ =	shalt  }
0x64: {  	_ =	shalt  }
0x65: {  	_ =	shalt  }
0x66: {  	_ =	shalt  }
0x67: {  	_ =	shalt  }
0x68: {  	_ =	shalt  }
0x69: {  	_ =	shalt  }
0x6a: {  	_ =	shalt  }
0x6b: {  	_ =	shalt  }
0x6c: {  	_ =	shalt  }
0x6d: {  	_ =	shalt  }
0x6e: {  	_ =	shalt  }
0x6f: {  	_ =	shalt  }
0x70: {  	_ =	shalt  }
0x71: {  	_ =	shalt  }
0x72: {  	_ =	shalt  }
0x73: {  	_ =	shalt  }
0x74: {  	_ =	shalt  }
0x75: {  	_ =	shalt  }
0x76: {  	_ =	shalt  }
0x77: {  	_ =	shalt  }
0x78: {  	_ =	shalt  }
0x79: {  	_ =	shalt  }
0x7a: {  	_ =	shalt  }
0x7b: {  	_ =	shalt  }
0x7c: {  	_ =	shalt  }
0x7d: {  	_ =	shalt  }
0x7e: {  	_ =	shalt  }
0x7f: {  	_ =	shalt  }
0x80: {  	_ =	shalt  }
0x81: {  	_ =	shalt  }
0x82: {  	_ =	shalt  }
0x83: {  	_ =	shalt  }
0x84: {  	_ =	shalt  }
0x85: {  	_ =	shalt  }
0x86: {  	_ =	shalt  }
0x87: {  	_ =	shalt  }
.Lfunc_end0:
.L_simem_size_0:
called_computation.1_lowered:
.L_overlay_start_0:
0x88: {  	s0 =	sld [smem:$0x3FD9]  }
0x89: {  	s1 =	sld [smem:$0x3FFE];
	_ =	sdelay $0x3  }
0x8a: {  	s0 =	sadd.s32 s1, s0  }
0x8b: {  	[smem:$0x3FC1] =	sst s0  }
0x8c: {  	_ = 	snop  }
0x8d: {  	s0 =	sld [smem:$0x3FD0];
	_ =	sdelay $0x2  }
0x8e: {  	s13 =	simm.s32 $0xB;
	s2 =	simm.s32 $0x10  }
0x8f: {  	[smem:s2], [sflag:s13] =	dma.local [hbm:s0], $0x1  }
0x90: {  	_ =	swait.eq [sflag:s13], $0x1  }
0x91: {  	[sflag:s13] =	ssyncset.done $0x0  }
0x92: {  	[sflag:s13] =	ssyncadd.s32 $0xFFFFFFFF  }
0x93: {  	s14 =	sld [smem:$0x10];
	(tm) =	ssettm $0x1  }
0x94: {  	s15 =	sld [smem:$0x3FFB];
	_ =	sdelay $0x3  }
0x95: {  	_ =	strace s15  }
0x96: {  	s1 =	sld [smem:$0x3FFC];
	_ =	sdelay $0x3  }
0x97: {  	_ =	strace s1  }
0x98: {  	s1 =	sld [smem:$0x3FFD];
	_ =	sdelay $0x3  }
0x99: {  	_ =	strace s1  }
0x9a: {  	_ =	strace $0x8FFFFFFF  }
0x9b: {  	s16 =	sld [smem:$0x3FDB];
	_ =	sdelay $0x1  }
0x9c: {  	s17 =	simm.s32 $_scs_section_size  }
0x9d: {  	s3 =	simm.s32 $_size__tile_overlayer_lowered;
	s4 =	simm.s32 $_tile_overlayer_lowered  }
0x9e: {  	s20 =	simm.s32 $0x1BFF;
	s19 =	sshll.u32 s4, $0x1;
	s1 =	sadd.s32 s17, s16  }
0x9f: {  	s5 =	simm.s32 $0x0;
	s18 =	sshll.u32 s3, $0x1;
	s3 =	sadd.s32 s19, s1  }
0xa0: {  	[timem:s5], [sflag:s20] =	dma.local [hbm:s3], s18  }
0xa1: {  	_ =	swait.ge [sflag:s20], s18  }
0xa2: {  	s2 =	ssub.s32 $0x0, s18;
	[sflag:s20] =	ssyncset.done $0x0  }
0xa3: {  	[sflag:s20] =	ssyncadd.s32 s2;
	_ =	sdelay $0x1  }
0xa4: {  	s21 =	simm.s32 $0x1B8B  }
0xa5: {  	_ =	swait.ge [sflag:s21], $0x1  }
0xa6: {  	[sflag:s21] =	ssyncset.done $0x0  }
0xa7: {  	s23 =	simm.s32 $0x1B8E;
	s22 =	sld [smem:$0x3FFE];
	[sflag:s21] =	ssyncadd.s32 $0xFFFFFFFF  }
0xa8: {  	s24 =	simm.s32 $execute0_lowered;
	[smem:$0x3FD2] =	sst s23  }
0xa9: {  	s3 =	sshll.u32 s24, $0x1;
	_ =	strace $0x8000004C;
	[dreg:$0x1] =	wrdreg $0xFFFFFFFF  }
0xaa: {  	s25 =	simm.s32 $_size_execute0_lowered;
	s1 =	sadd.s32 s1, s3;
	[dreg:$0x0] =	wrdreg $0x0  }
0xab: {  	s3 =	sshll.u32 s25, $0x1;
	[dreg:$0x2] =	wrdreg s1  }
0xac: {  	[dreg:$0x3] =	wrdreg s3  }
0xad: {  	[dreg:$0x4] =	wrdreg $0xC0  }
0xae: {  	_ =	task [dreg:s5], $0x5FFFF  }
0xaf: {  	[dreg:$0x1] =	wrdreg $0xFFFFFFFF  }
0xb0: {  	[dreg:$0x0] =	wrdreg $0x60  }
0xb1: {  	[dreg:$0x2] =	wrdreg s22  }
0xb2: {  	[dreg:$0x3] =	wrdreg s14  }
0xb3: {  	[dreg:$0x4] =	wrdreg $0xA  }
0xb4: {  	_ =	task.clear_ibuf [dreg:s5], $0x5FFFF;
	_ =	strace $0x9000004C  }
0xb5: {  	s26 =	simm.s32 $0xA;
	_ =	strace $0x8000004E  }
0xb6: {  	_ =	swait.ge [sflag:s26], $0x1  }
0xb7: {  	[sflag:s26] =	ssyncadd.s32 $0xFFFFFFFF  }
0xb8: {  	_ =	strace $0x9000004E  }
0xb9: {  	_ =	sfence  }
0xba: {  	s28 =	sld [smem:$0x0];
	_ =	sdelay $0x1  }
0xbb: {  	s29 =	srdreg.scid  }
0xbc: {  	s30 =	sshll.u32 s29, $0xD;
	s31 =	sshrl.u32 s29, $0x2  }
0xbd: {  	s2 =	sand.u32 $0x4000, s30;
	s1 =	sand.u32 $0x1, s29;
	s0 =	sadd.s32 s31, s28  }
0xbe: {  	s1 =	sor.u32 s2, s1;
	s0 =	sshll.u32 s0, $0x11  }
0xbf: {  	s0 =	sor.u32 s0, s1  }
0xc0: {  	s0 =	sadd.s32 $0x8F2B, s0  }
0xc1: {  	[sflag:s0] =	ssyncadd.remote.s32 $0x1  }
0xc2: {  	_ =	sfence.sel $0xFFFF  }
0xc3: {  	[dreg:$0x0] =	wrdreg $0xFFFFFFFF;
	(pc) =	sbr.abs _section_cstart, $3  }
0xc4: {  	[dreg:$0x1] =	wrdreg $0xFFFFFFFF  }
0xc5: {  	_ =	task.clear_ibuf [dreg:s5], $0x2FFFF;
	_ =	strace $0x9FFFFFFF  }
0xc6: {  	(tm) =	ssettm $0x7FFFFFFF  }
0xc7: {  	_ =	shalt  }
tec
execute0_lowered:
.L_overlay_start_1:
0x0: {  	(tag) =	ssettag $0x1  }
0x1: {  	s2 =	rddreg [dreg:$0x0]  }
0x2: {  	s3 =	rddreg [dreg:$0x1]  }
0x3: {  	s0 =	rddreg [dreg:$0x2];
	s1 =	stileid.u32;
	_ =	strace $0x8000004D  }
0x4: {  	s5 =	simm.s32 $0x1;
	s6 =	simm.s32 $0x500;
	s8 =	simm.s32 $0x1  }
0x5: {  	s9 =	simm.s32 $0x3;
	s10 =	simm.s32 $0x0;
	s4 =	smul.u32 $0x50, s1  }
0x6: {  	s13 =	simm.s32 $0x0;
	s12 =	simm.s32 $0x0;
	p0 =	slt.u32 s1, $0xA  }
.Ltmp0:
0x7: {  	s6 =	simm.s32 @!p0 $0x0;
	s7 =	ssub.s32 $0x7D0, s4;
	(pc) =	sbr.rel .LBB2_1-.Ltmp0, $4  }
0x8: {  	s8 =	simm.s32 @!p0 $0x0;
	p0 =	sne.s32 s7, s6;
	s7 =	simm.s32 $0x1  }
0x9: {  	[sflag:s5] =	ssyncpa.u1 $0x0;
	s6 =	simm.s32 $0x2;
	s7 =	simm.s32 @!p0 $0x0  }
0xa: {  	s11 =	smov.u32 s4;
	[sflag:s6] =	ssyncpa.u1 $0x0;
	s7 =	sadd.s32 s8, s7  }
0xb: {  	vm0 =	vmmov $0xffff;
	s8 =	sadd.s32 $0x200, s2;
	[sflag:s9] =	ssyncpa.u1 $0x0;
	s9 =	sadd.s32 $0x1, s7  }
.LBB2_4:
0xc: {  	v2 =	vnsel vm1, $0x0, v2  }
0xd: {  	vm1 =	vgt.s32 v0, $0x0;
	v2 =	vmin.u32 v2, $0x7CF  }
0xe: {  	v0 =	vnsel vm1, $0x0, v0  }
0xf: {  	v0 =	vmin.u32 v0, $0x7CF  }
0x10: {  	[tilespmem:s18], [sflag:$0x1] =	stream.indirect_vreg.gather [hbm4b:s2+s10], $0x1, v1, vm0, $0x4038;
	[tilespmem:$0x140] =	vst v63  }
0x11: {  	(ifvalue) =	ssetifvalue $0x7FFFFFFF  }
0x12: {  	[tilespmem:s15], [sflag:$0x1] =	stream.indirect_vreg.gather [hbm4b:s2+s10], $0x1, v2, vm0, $0x4038;
	[tilespmem:$0x140] =	vst v63  }
0x13: {  	s29 =	sadd.s32 $0x10, s15;
	(ifvalue) =	ssetifvalue $0x7FFFFFFF  }
0x14: {  	[tilespmem:s29], [sflag:$0x1] =	stream.indirect_vreg.gather [hbm4b:s2+s10], $0x1, v0, vm0, $0x4038;
	[tilespmem:$0x140] =	vst v63  }
0x15: {  	_ =	swait.ge [sflag:s5], $0x50  }
0x16: {  	s30 =	sshrl.u32 s13, $0x3;
	[sflag:s5] =	ssyncset.done $0x0  }
0x17: {  	s31 =	sand.u32 $0x7, s13;
	s15 =	sadd.s32 s8, s30;
	[sflag:s5] =	ssyncadd.s32 $0xFFFFFFB0  }
0x18: {  	[hbm4b:s15+s31] =	stream.linear.scatter [tilespmem:s14], [sflag:$0x3], $0x50, $0x38;
	[tilespmem:$0x140] =	vst v63  }
.LBB2_5:
0x19: {  	s15 =	sadd.s32 $0x500, s11  }
0x1a: {  	p1 =	sgt.s32 s15, $0x7CF  }
0x1b: {  	s15 =	smov.u32 @p1 s4;
	p1 =	sne.s32 s12, s9  }
.Ltmp1:
0x1c: {  	p0 =	slt.u32 s12, $0x2;
	(pc) =	sbr.rel @!p1 .LBB2_6-.Ltmp1, $4  }
0x1d: {  	s14 =	simm.s32 @!p0 $0x3  }
0x1e: {  	_ =	swait.ge @!p0 [sflag:s14], $0x50  }
0x1f: {  	s16 =	sadd.s32 $0x1, s12;
	s13 =	smov.u32 s11;
	[sflag:s14] =	ssyncset.done @!p0 $0x0  }
0x20: {  	s12 =	smov.u32 s16;
	s11 =	smov.u32 s15;
	[sflag:s14] =	ssyncadd.s32 @!p0 $0xFFFFFFB0  }
.LBB2_1:
0x21: {  	p0 =	sge.u32 s12, s7  }
0x22: {  	s14 =	sxor.u32 @!p0 $0x1, s12  }
0x23: {  	s14 =	smul.u32 @!p0 $0x140, s14  }
0x24: {  	s31 =	sadd.s32 $0xFFFFFFFF, s12;
	s15 =	sshrl.u32 @!p0 s11, $0x3  }
0x25: {  	s16 =	sand.u32 @!p0 $0x7, s11;
	s15 =	sadd.s32 @!p0 s3, s15;
	s14 =	sshra.s32 @!p0 s14, $0x2  }
0x26: {  	[tilespmem:s14], [sflag:$0x2] =	stream.linear.gather @!p0 [hbm4b:s15+s16], $0x50, $0x38;
	[tilespmem:$0x140] =	vst v63  }
0x27: {  	p0 =	sge.u32 s31, s7  }
.Ltmp2:
0x28: {  	_ = 	snop;
	(pc) =	sbr.rel @p0 .LBB2_5-.Ltmp2, $1  }
0x29: {  	_ =	sdelay $0x3  }
0x2a: {  	s14 =	sand.u32 $0x1, s12  }
0x2b: {  	_ =	swait.ge [sflag:s6], $0x50;
	p0 =	seq.s32 s14, $0x1;
	s14 =	simm.s32 $0x50  }
0x2c: {  	[sflag:s6] =	ssyncset.done $0x0;
	s14 =	simm.s32 @!p0 $0x0  }
0x2d: {  	[sflag:s6] =	ssyncadd.s32 $0xFFFFFFB0;
	(ifvalue) =	ssetifvalue $0x7FFFFFFF;
	v0 =	vld.msk [tilespmem:s14+$0x0 ss:$0x1], $0xffff;
	_ =	sdelay $0x4  }
0x2e: {  	s15 =	sadd.s32 $0x10, s14;
	vm1 =	vgt.s32 v0, $0x0  }
0x2f: {  	v2 =	vld.msk [tilespmem:s15+$0x0 ss:$0x1], $0xffff;
	v1 =	vnsel vm1, $0x0, v0  }
0x30: {  	v1 =	vmin.u32 v1, $0x7CF;
	_ =	sdelay $0x2  }
0x31: {  	s17 =	simm.s32 $0x20;
	s14 =	sor.u32 $0xA0, s14;
	s16 =	sadd.s32 $0x10, s15  }
0x32: {  	s15 =	sadd.s32 $0x10, s14;
	s18 =	smov.u32 s14;
	v0 =	vld.msk [tilespmem:s16+$0x0 ss:$0x1], $0xffff;
	vm1 =	vgt.s32 v2, $0x0;
	(ifvalue) =	ssetifvalue $0x7FFFFFFF  }
.LBB2_3:
0x33: {  	[tilespmem:s18], [sflag:$0x1] =	stream.indirect_vreg.gather [hbm4b:s2+s10], $0x1, v1, vm0, $0x4038;
	[tilespmem:$0x140] =	vst v63  }
0x34: {  	s17 =	sadd.s32 $0x10, s17  }
0x35: {  	v2 =	vnsel vm1, $0x0, v2;
	p0 =	slt.u32 s17, $0x40  }
.Ltmp3:
0x36: {  	s18 =	smov.u32 s15;
	v1 =	vmin.u32 v2, $0x7CF;
	(pc) =	sbr.rel @p0 .LBB2_3-.Ltmp3, $3  }
0x37: {  	_ =	sdelay $0x1  }
0x38: {  	s16 =	sadd.s32 $0x10, s16  }
0x39: {  	vm1 =	vgt.s32 v0, $0x0;
	s15 =	sadd.s32 $0x10, s15;
	v2 =	vmov v0;
	(ifvalue) =	ssetifvalue $0x7FFFFFFF;
	v0 =	vld.msk [tilespmem:s16+$0x0 ss:$0x1], $0xffff  }
.Ltmp4:
0x3a: {  	_ = 	snop;
	(pc) =	sbr.rel .LBB2_4-.Ltmp4, $1  }
0x3b: {  	_ =	sdelay $0x3  }
.LBB2_6:
0x3c: {  	_ =	sfence.sel $0x180000  }
0x3d: {  	s2 =	simm.s32 $0x2;
	[bflag:$0x0] =	sbarrier.arrive $0xFFFF  }
0x3e: {  	s30 =	simm.s32 $0x3;
	[sflag:s2] =	ssyncpa.u1 $0x1  }
0x3f: {  	s31 =	simm.s32 $0x1;
	[sflag:s30] =	ssyncpa.u1 $0x1  }
0x40: {  	[sflag:s31] =	ssyncpa.u1 $0x1  }
0x41: {  	p0 =	sne.s32 s1, $0x0;
	_ =	strace $0x9000004D  }
0x42: {  	s0 =	sadd.s32 @!p0 $0x100000, s0;
	[bflag:$0x2] =	sbarrier.arrive $0xFFFF  }
0x43: {  	[sflag:s0] =	ssyncadd.tile.s32 @!p0 $0x1;
	_ =	shalt  }
.Lfunc_end2:
_tile_overlayer_lowered:
.L_overlay_start_2:
0x44: {  	(tag) =	ssettag $0x2  }
0x45: {  	s0 =	rddreg [dreg:$0x0];
	s2 =	stileid.u32  }
0x46: {  	s1 =	rddreg [dreg:$0x1];
	p0 =	sne.s32 s2, $0x0  }
0x47: {  	s3 =	rddreg [dreg:$0x2];
	[bflag:$0x3] =	sbarrier.arrive $0xFFFF;
	s2 =	simm.s32 @!p0 $0x1C01  }
0x48: {  	[timem:s3], [sflag:s2] =	dma.local @!p0 [hbm:s0], s1  }
0x49: {  	s0 =	simm.s32 @!p0 $0x1  }
0x4a: {  	_ =	swait.ge @!p0 [sflag:s0], s1  }
0x4b: {  	s1 =	ssub.s32 @!p0 $0x0, s1;
	[sflag:s0] =	ssyncset.done @!p0 $0x0  }
0x4c: {  	[sflag:s0] =	ssyncadd.s32 @!p0 s1  }
0x4d: {  	[bflag:$0x3] =	sbarrier.arrive $0xFFFF  }
0x4e: {  	_ =	shalt  }

// kernel: gather_offload_async_start.2
scs
__scs_entry_jumppad:
0x0: {  	(pc) =	sbr.rel $0x88, $3  }
0x1: {  	(tag) =	ssettag $0x0;
	lr =	simm.s32 $0x1  }
0x2: {  	[smem:$0x3F9A] =	sst lr;
	_ =	strace $0xD0000000  }
0x3: {  	_ = 	snop  }
0x4: {  	_ = 	snop  }
0x5: {  	_ = 	snop  }
0x6: {  	_ = 	snop  }
0x7: {  	_ = 	snop  }
__scs_overlays_trampoline_lowered:
0x8: {  	[smem:$0x3FA9] =	sst s0  }
0x9: {  	[smem:$0x3FAA] =	sst s1  }
0xa: {  	[smem:$0x3FAB] =	sst s2  }
0xb: {  	[smem:$0x3FAC] =	sst s3  }
0xc: {  	[smem:$0x3FAD] =	sst s4  }
0xd: {  	[smem:$0x3FAE] =	sst s5  }
0xe: {  	[smem:$0x3FAF] =	sst s6  }
0xf: {  	[smem:$0x3FB0] =	sst s7  }
0x10: {  	[smem:$0x3FB1] =	sst s8  }
0x11: {  	[smem:$0x3FB2] =	sst s9;
	s0 =	simm.s32 @!p0 $0x0  }
0x12: {  	s1 =	sld [smem:$0x3F98];
	s0 =	simm.s32 @p0 $0x1  }
0x13: {  	[smem:$0x3FB3] =	sst s0;
	s0 =	simm.s32 @!p1 $0x0  }
0x14: {  	s2 =	sld [smem:$0x3F97];
	s0 =	simm.s32 @p1 $0x1  }
0x15: {  	[smem:$0x3FB4] =	sst s0;
	s0 =	simm.s32 @!p2 $0x0  }
0x16: {  	s3 =	sld [smem:$0x3FDB];
	s0 =	simm.s32 @p2 $0x1  }
0x17: {  	s4 =	simm.s32 $0x1BF5;
	[smem:$0x3FB6] =	sst s0  }
0x18: {  	s0 =	sld [smem:$0x3F99];
	_ =	swait.ge [sflag:s4], $0x0  }
0x19: {  	s7 =	sld [smem:$0x3F9A]  }
0x1a: {  	s8 =	sadd.s32 $0xFFFFE003, lr  }
0x1b: {  	s9 =	sadd.s32 $0xFFFFFEF7, lr;
	s5 =	simm.s32 $0xFFFFFFFF;
	p2 =	slt.u32 s8, $0xFFFFF086  }
0x1c: {  	p1 =	slt.u32 s9, $0xF7A;
	s5 =	simm.s32 @!p2 $0x0  }
0x1d: {  	s5 =	simm.s32 @p1 $0x1;
	p0 =	seq.s32 s7, s2  }
0x1e: {  	s7 =	smul.u32 @!p0 $0xF7A, s2;
	p2 =	seq.s32 @!p0 s5, $0x0  }
0x1f: {  	s9 =	smul.u32 $0xF7A, s1;
	s8 =	simm.s32 @!p0 $0x1BF5;
	p2 =	por !p2, p0  }
0x20: {  	[sflag:s8] =	ssyncset.s32 @!p0 $0xFFFFF086;
	s6 =	sadd.s32 @!p0 s3, s7;
	s7 =	simm.s32 @!p0 $0x108  }
0x21: {  	s3 =	sadd.s32 s3, s9;
	s6 =	sadd.s32 @!p0 $0x88, s6;
	s7 =	simm.s32 @p2 $0x1082  }
0x22: {  	[simem:s7], [sflag:s8] =	dma.local @!p0 [hbm:s6], $0xF7A  }
0x23: {  	s9 =	sor.u32 $0xD0000000, s2;
	s6 =	simm.s32 $0x108;
	_ =	swait.ge @!p0 [sflag:s8], $0x0  }
0x24: {  	s3 =	sadd.s32 $0x88, s3;
	s6 =	simm.s32 @!p1 $0x1082;
	[sflag:s4] =	ssyncset.s32 $0xFFFFF086  }
0x25: {  	[simem:s6], [sflag:s4] =	dma.local [hbm:s3], $0xF7A  }
0x26: {  	[smem:$0x3F9A] =	sst s1;
	(tag) =	ssettag s2;
	_ =	strace s9  }
0x27: {  	s1 =	sld [smem:$0x3FAA]  }
0x28: {  	s2 =	sld [smem:$0x3FAB]  }
0x29: {  	s4 =	sld [smem:$0x3FAD]  }
0x2a: {  	p0 =	seq.s32 s5, $0x0;
	s5 =	sld [smem:$0x3FAE]  }
0x2b: {  	s6 =	sld [smem:$0x3FAF]  }
0x2c: {  	s7 =	sld [smem:$0x3FB0]  }
0x2d: {  	s3 =	simm.s32 $0x108;
	s8 =	sld [smem:$0x3FB1]  }
0x2e: {  	s3 =	simm.s32 @!p0 $0x1082;
	s9 =	sld [smem:$0x3FB2]  }
0x2f: {  	lr =	sadd.s32 s0, s3;
	s0 =	sld [smem:$0x3FA9]  }
0x30: {  	s3 =	sld [smem:$0x3FAC]  }
0x31: {  	[smem:$0x3FB5] =	sst s10  }
0x32: {  	s10 =	sld [smem:$0x3FB3];
	_ =	sdelay $0x3  }
0x33: {  	p0 =	seq.s32 s10, $0x1;
	s10 =	sld [smem:$0x3FB5];
	_ =	sdelay $0x3  }
0x34: {  	[smem:$0x3FB5] =	sst s10  }
0x35: {  	s10 =	sld [smem:$0x3FB4];
	_ =	sdelay $0x3  }
0x36: {  	p1 =	seq.s32 s10, $0x1;
	s10 =	sld [smem:$0x3FB5];
	_ =	sdelay $0x3  }
0x37: {  	[smem:$0x3FB5] =	sst s10  }
0x38: {  	s10 =	sld [smem:$0x3FB6]  }
0x39: {  	_ = 	snop;
	(pc) =	sbr.ind lr, $3  }
0x3a: {  	_ = 	snop  }
0x3b: {  	_ = 	snop  }
0x3c: {  	p2 =	seq.s32 s10, $0x1;
	s10 =	sld [smem:$0x3FB5]  }
0x3d: {  	_ =	shalt  }
0x3e: {  	_ =	shalt  }
0x3f: {  	_ =	shalt  }
0x40: {  	_ =	shalt  }
0x41: {  	_ =	shalt  }
0x42: {  	_ =	shalt  }
0x43: {  	_ =	shalt  }
0x44: {  	_ =	shalt  }
0x45: {  	_ =	shalt  }
0x46: {  	_ =	shalt  }
0x47: {  	_ =	shalt  }
0x48: {  	_ =	shalt  }
0x49: {  	_ =	shalt  }
0x4a: {  	_ =	shalt  }
0x4b: {  	_ =	shalt  }
0x4c: {  	_ =	shalt  }
0x4d: {  	_ =	shalt  }
0x4e: {  	_ =	shalt  }
0x4f: {  	_ =	shalt  }
0x50: {  	_ =	shalt  }
0x51: {  	_ =	shalt  }
0x52: {  	_ =	shalt  }
0x53: {  	_ =	shalt  }
0x54: {  	_ =	shalt  }
0x55: {  	_ =	shalt  }
0x56: {  	_ =	shalt  }
0x57: {  	_ =	shalt  }
0x58: {  	_ =	shalt  }
0x59: {  	_ =	shalt  }
0x5a: {  	_ =	shalt  }
0x5b: {  	_ =	shalt  }
0x5c: {  	_ =	shalt  }
0x5d: {  	_ =	shalt  }
0x5e: {  	_ =	shalt  }
0x5f: {  	_ =	shalt  }
0x60: {  	_ =	shalt  }
0x61: {  	_ =	shalt  }
0x62: {  	_ =	shalt  }
0x63: {  	_ =	shalt  }
0x64: {  	_ =	shalt  }
0x65: {  	_ =	shalt  }
0x66: {  	_ =	shalt  }
0x67: {  	_ =	shalt  }
0x68: {  	_ =	shalt  }
0x69: {  	_ =	shalt  }
0x6a: {  	_ =	shalt  }
0x6b: {  	_ =	shalt  }
0x6c: {  	_ =	shalt  }
0x6d: {  	_ =	shalt  }
0x6e: {  	_ =	shalt  }
0x6f: {  	_ =	shalt  }
0x70: {  	_ =	shalt  }
0x71: {  	_ =	shalt  }
0x72: {  	_ =	shalt  }
0x73: {  	_ =	shalt  }
0x74: {  	_ =	shalt  }
0x75: {  	_ =	shalt  }
0x76: {  	_ =	shalt  }
0x77: {  	_ =	shalt  }
0x78: {  	_ =	shalt  }
0x79: {  	_ =	shalt  }
0x7a: {  	_ =	shalt  }
0x7b: {  	_ =	shalt  }
0x7c: {  	_ =	shalt  }
0x7d: {  	_ =	shalt  }
0x7e: {  	_ =	shalt  }
0x7f: {  	_ =	shalt  }
0x80: {  	_ =	shalt  }
0x81: {  	_ =	shalt  }
0x82: {  	_ =	shalt  }
0x83: {  	_ =	shalt  }
0x84: {  	_ =	shalt  }
0x85: {  	_ =	shalt  }
0x86: {  	_ =	shalt  }
0x87: {  	_ =	shalt  }
.Lfunc_end0:
.L_simem_size_0:
called_computation.2_lowered:
.L_overlay_start_0:
0x88: {  	s0 =	sld [smem:$0x3FD9]  }
0x89: {  	s1 =	sld [smem:$0x3FFE];
	_ =	sdelay $0x3  }
0x8a: {  	s0 =	sadd.s32 s1, s0  }
0x8b: {  	[smem:$0x3FC1] =	sst s0  }
0x8c: {  	_ = 	snop  }
0x8d: {  	s0 =	sld [smem:$0x3FD0];
	_ =	sdelay $0x2  }
0x8e: {  	s13 =	simm.s32 $0xB;
	s2 =	simm.s32 $0x10  }
0x8f: {  	[smem:s2], [sflag:s13] =	dma.local [hbm:s0], $0x1  }
0x90: {  	_ =	swait.eq [sflag:s13], $0x1  }
0x91: {  	[sflag:s13] =	ssyncset.done $0x0  }
0x92: {  	[sflag:s13] =	ssyncadd.s32 $0xFFFFFFFF  }
0x93: {  	s14 =	sld [smem:$0x10];
	(tm) =	ssettm $0x1  }
0x94: {  	s15 =	sld [smem:$0x3FFB];
	_ =	sdelay $0x3  }
0x95: {  	_ =	strace s15  }
0x96: {  	s1 =	sld [smem:$0x3FFC];
	_ =	sdelay $0x3  }
0x97: {  	_ =	strace s1  }
0x98: {  	s1 =	sld [smem:$0x3FFD];
	_ =	sdelay $0x3  }
0x99: {  	_ =	strace s1  }
0x9a: {  	_ =	strace $0x8FFFFFFF  }
0x9b: {  	s16 =	sld [smem:$0x3FDB];
	_ =	sdelay $0x1  }
0x9c: {  	s17 =	simm.s32 $_scs_section_size  }
0x9d: {  	s3 =	simm.s32 $_size__tile_overlayer_lowered;
	s4 =	simm.s32 $_tile_overlayer_lowered  }
0x9e: {  	s20 =	simm.s32 $0x1BFF;
	s19 =	sshll.u32 s4, $0x1;
	s1 =	sadd.s32 s17, s16  }
0x9f: {  	s5 =	simm.s32 $0x0;
	s18 =	sshll.u32 s3, $0x1;
	s3 =	sadd.s32 s19, s1  }
0xa0: {  	[timem:s5], [sflag:s20] =	dma.local [hbm:s3], s18  }
0xa1: {  	_ =	swait.ge [sflag:s20], s18  }
0xa2: {  	s2 =	ssub.s32 $0x0, s18;
	[sflag:s20] =	ssyncset.done $0x0  }
0xa3: {  	[sflag:s20] =	ssyncadd.s32 s2;
	_ =	sdelay $0x1  }
0xa4: {  	s21 =	simm.s32 $0x1B8B  }
0xa5: {  	_ =	swait.ge [sflag:s21], $0x1  }
0xa6: {  	[sflag:s21] =	ssyncset.done $0x0  }
0xa7: {  	s23 =	simm.s32 $0x1B8E;
	s22 =	sld [smem:$0x3FFE];
	[sflag:s21] =	ssyncadd.s32 $0xFFFFFFFF  }
0xa8: {  	s24 =	simm.s32 $execute0_lowered;
	[smem:$0x3FD2] =	sst s23  }
0xa9: {  	s3 =	sshll.u32 s24, $0x1;
	_ =	strace $0x80000046;
	[dreg:$0x1] =	wrdreg $0xFFFFFFFF  }
0xaa: {  	s25 =	simm.s32 $_size_execute0_lowered;
	s1 =	sadd.s32 s1, s3;
	[dreg:$0x0] =	wrdreg $0x0  }
0xab: {  	s3 =	sshll.u32 s25, $0x1;
	[dreg:$0x2] =	wrdreg s1  }
0xac: {  	[dreg:$0x3] =	wrdreg s3  }
0xad: {  	[dreg:$0x4] =	wrdreg $0xC0  }
0xae: {  	_ =	task [dreg:s5], $0x5FFFF  }
0xaf: {  	[dreg:$0x1] =	wrdreg $0xFFFFFFFF  }
0xb0: {  	[dreg:$0x0] =	wrdreg $0x60  }
0xb1: {  	[dreg:$0x2] =	wrdreg s22  }
0xb2: {  	[dreg:$0x3] =	wrdreg s14  }
0xb3: {  	[dreg:$0x4] =	wrdreg $0x9  }
0xb4: {  	_ =	task.clear_ibuf [dreg:s5], $0x5FFFF;
	_ =	strace $0x90000046  }
0xb5: {  	s26 =	simm.s32 $0x9;
	_ =	strace $0x80000048  }
0xb6: {  	_ =	swait.ge [sflag:s26], $0x1  }
0xb7: {  	[sflag:s26] =	ssyncadd.s32 $0xFFFFFFFF  }
0xb8: {  	_ =	strace $0x90000048  }
0xb9: {  	_ =	sfence  }
0xba: {  	s28 =	sld [smem:$0x0];
	_ =	sdelay $0x1  }
0xbb: {  	s29 =	srdreg.scid  }
0xbc: {  	s30 =	sshll.u32 s29, $0xD;
	s31 =	sshrl.u32 s29, $0x2  }
0xbd: {  	s2 =	sand.u32 $0x4000, s30;
	s1 =	sand.u32 $0x1, s29;
	s0 =	sadd.s32 s31, s28  }
0xbe: {  	s1 =	sor.u32 s2, s1;
	s0 =	sshll.u32 s0, $0x11  }
0xbf: {  	s0 =	sor.u32 s0, s1  }
0xc0: {  	s0 =	sadd.s32 $0x8F2B, s0  }
0xc1: {  	[sflag:s0] =	ssyncadd.remote.s32 $0x1  }
0xc2: {  	_ =	sfence.sel $0xFFFF  }
0xc3: {  	[dreg:$0x0] =	wrdreg $0xFFFFFFFF;
	(pc) =	sbr.abs _section_cstart, $3  }
0xc4: {  	[dreg:$0x1] =	wrdreg $0xFFFFFFFF  }
0xc5: {  	_ =	task.clear_ibuf [dreg:s5], $0x2FFFF;
	_ =	strace $0x9FFFFFFF  }
0xc6: {  	(tm) =	ssettm $0x7FFFFFFF  }
0xc7: {  	_ =	shalt  }
tec
execute0_lowered:
.L_overlay_start_1:
0x0: {  	(tag) =	ssettag $0x1  }
0x1: {  	s0 =	stileid.u32  }
0x2: {  	s1 =	smin.u32 s0, $0x9  }
0x3: {  	s1 =	sadd.s32 s0, s1  }
0x4: {  	s2 =	simm.s32 $0xA0;
	p0 =	slt.u32 s0, $0x9;
	s1 =	smul.u32 $0x50, s1  }
0x5: {  	s2 =	simm.s32 @!p0 $0x50  }
0x6: {  	s2 =	sadd.s32 s2, s1  }
0x7: {  	s3 =	smin.u32 s2, $0x7D0  }
0x8: {  	s7 =	ssub.s32 s3, s1  }
0x9: {  	p0 =	sgt.s32 s7, $0x0  }
0xa: {  	s7 =	simm.s32 @!p0 $0x0  }
0xb: {  	s4 =	rddreg [dreg:$0x0];
	s31 =	smul.u32 $0xCCCD, s7  }
0xc: {  	s5 =	rddreg [dreg:$0x1]  }
0xd: {  	s6 =	simm.s32 $0x1;
	s10 =	simm.s32 $0x3;
	s8 =	sshrl.u32 s31, $0x16  }
0xe: {  	s13 =	simm.s32 $0x0;
	s12 =	simm.s32 $0x0;
	s9 =	smul.u32 $0x50, s8  }
.Ltmp0:
0xf: {  	s11 =	smov.u32 s1;
	s2 =	rddreg [dreg:$0x2];
	(pc) =	sbr.rel .LBB2_1-.Ltmp0, $4  }
0x10: {  	_ =	strace $0x80000047;
	p0 =	sne.s32 s7, s9;
	s9 =	simm.s32 $0x1  }
0x11: {  	[sflag:s6] =	ssyncpa.u1 $0x0;
	s7 =	simm.s32 $0x2;
	s9 =	simm.s32 @!p0 $0x0  }
0x12: {  	[sflag:s7] =	ssyncpa.u1 $0x0;
	p0 =	por $0x0, $0x0;
	s8 =	sadd.s32 s8, s9  }
0x13: {  	vm0 =	vmmov $0xff;
	vm1 =	vcmask $0x3F20;
	s9 =	sadd.s32 $0x9C400, s4;
	[sflag:s10] =	ssyncpa.u1 $0x0;
	s10 =	sadd.s32 $0x1, s8  }
.LBB2_6:
0x14: {  	[hbm:s17] =	stream.linear.scatter [tilespmem:s14], [sflag:$0x3], $0x400, $0x38;
	[tilespmem:$0x50A0] =	vst v63  }
.LBB2_7:
0x15: {  	s13 =	sadd.s32 $0x50, s11  }
0x16: {  	s15 =	smov.u32 s1;
	p2 =	slt.s32 s13, s3  }
0x17: {  	s15 =	smov.u32 @p2 s13;
	p2 =	sne.s32 s12, s10  }
.Ltmp1:
0x18: {  	p1 =	slt.u32 s12, $0x2;
	(pc) =	sbr.rel @!p2 .LBB2_8-.Ltmp1, $4  }
0x19: {  	s14 =	simm.s32 @!p1 $0x3  }
0x1a: {  	s16 =	sadd.s32 $0x1, s12;
	_ =	swait.ge @!p1 [sflag:s14], $0x2800  }
0x1b: {  	p0 =	por !p0, !p0;
	s13 =	smov.u32 s11;
	[sflag:s14] =	ssyncset.done @!p1 $0x0  }
0x1c: {  	s12 =	smov.u32 s16;
	s11 =	smov.u32 s15;
	[sflag:s14] =	ssyncadd.s32 @!p1 $0xFFFFD800  }
.LBB2_1:
0x1d: {  	p1 =	sge.u32 s12, s8  }
0x1e: {  	s14 =	sxor.u32 @!p1 $0xFFFFFFFF, s12  }
0x1f: {  	s14 =	sand.u32 @!p1 $0x1, s14  }
0x20: {  	s14 =	smul.u32 @!p1 $0x140, s14  }
0x21: {  	s31 =	sadd.s32 $0xFFFFFFFF, s12;
	s15 =	sshrl.u32 @!p1 s11, $0x3  }
0x22: {  	s16 =	sand.u32 @!p1 $0x7, s11;
	s15 =	sadd.s32 @!p1 s5, s15;
	s14 =	sshrl.u32 @!p1 s14, $0x2  }
0x23: {  	[tilespmem:s14], [sflag:$0x2] =	stream.linear.gather @!p1 [hbm4b:s15+s16], $0x50, $0x38;
	[tilespmem:$0x50A0] =	vst v63  }
0x24: {  	p1 =	sge.u32 s31, s8  }
.Ltmp2:
0x25: {  	_ = 	snop;
	(pc) =	sbr.rel @p1 .LBB2_7-.Ltmp2, $1  }
0x26: {  	_ =	sdelay $0x3  }
0x27: {  	s14 =	simm.s32 $0x1  }
0x28: {  	s14 =	simm.s32 @!p0 $0x0  }
0x29: {  	s15 =	smul.u32 $0x140, s14  }
0x2a: {  	_ =	swait.ge [sflag:s7], $0x50  }
0x2b: {  	[sflag:s7] =	ssyncset.done $0x0;
	s16 =	sshrl.u32 s15, $0x2  }
0x2c: {  	[sflag:s7] =	ssyncadd.s32 $0xFFFFFFB0;
	s15 =	sadd.s32 $0x0, s16  }
0x2d: {  	v0 =	vld.msk [tilespmem:s15+$0x0 ss:$0x1], $0xffff;
	_ =	sdelay $0x4  }
0x2e: {  	vm2 =	vgt.s32 v0, $0x0  }
0x2f: {  	v0 =	vnsel vm2, $0x0, v0  }
0x30: {  	v0 =	vmin.u32 v0, $0x1D4BF  }
0x31: {  	v0 =	vshll.u32 v0, $0x4  }
0x32: {  	s14 =	smul.u32 $0xA000, s14;
	_ =	sdelay $0x1  }
0x33: {  	s14 =	sshrl.u32 s14, $0x2  }
0x34: {  	s14 =	sor.u32 $0xA0, s14  }
0x35: {  	[tilespmem:s14], [sflag:$0x1] =	stream.indirect_vreg.gather [hbm:s9], $0x80, v0, vm0, $0x38;
	[tilespmem:$0x50A0] =	vst v63  }
0x36: {  	s17 =	sadd.s32 $0x10, s16;
	s15 =	sadd.s32 $0x400, s14  }
0x37: {  	[tilespmem:s15], [sflag:$0x1] =	stream.indirect_vreg.gather [hbm:s9], $0x80, v0, vm1, $0x38;
	[tilespmem:$0x50A0] =	vst v63  }
0x38: {  	s18 =	simm.s32 $0x80;
	v0 =	vld.msk [tilespmem:s17+$0x0 ss:$0x1], $0xffff;
	s17 =	smov.u32 s14  }
.LBB2_3:
0x39: {  	p1 =	sne.s32 s18, $0x100;
	_ =	sdelay $0x4  }
0x3a: {  	vm2 =	vgt.s32 v0, $0x0  }
0x3b: {  	v0 =	vnsel vm2, $0x0, v0  }
0x3c: {  	v0 =	vmin.u32 v0, $0x1D4BF  }
0x3d: {  	v0 =	vshll.u32 v0, $0x4;
	_ =	sdelay $0x3  }
.Ltmp3:
0x3e: {  	s19 =	sshra.s32 s18, $0x2;
	s17 =	sadd.s32 $0x800, s17;
	(pc) =	sbr.rel @p1 .LBB2_3-.Ltmp3, $4  }
0x3f: {  	[tilespmem:s17], [sflag:$0x1] =	stream.indirect_vreg.gather [hbm:s9], $0x80, v0, vm0, $0x38;
	[tilespmem:$0x50A0] =	vst v63  }
0x40: {  	s19 =	sadd.s32 s19, s16;
	s20 =	sadd.s32 $0x400, s17  }
0x41: {  	[tilespmem:s20], [sflag:$0x1] =	stream.indirect_vreg.gather [hbm:s9], $0x80, v0, vm1, $0x38;
	[tilespmem:$0x50A0] =	vst v63  }
0x42: {  	s18 =	sadd.s32 $0x40, s18;
	v0 =	vld.msk [tilespmem:s19+$0x0 ss:$0x1], $0xffff  }
0x43: {  	_ =	sdelay $0x3  }
0x44: {  	vm2 =	vgt.s32 v0, $0x0  }
0x45: {  	v0 =	vnsel vm2, $0x0, v0  }
0x46: {  	v0 =	vmin.u32 v0, $0x1D4BF  }
0x47: {  	v0 =	vshll.u32 v0, $0x4;
	_ =	sdelay $0x3  }
0x48: {  	s16 =	sadd.s32 $0x800, s17  }
0x49: {  	[tilespmem:s16], [sflag:$0x1] =	stream.indirect_vreg.gather [hbm:s9], $0x80, v0, vm0, $0x38;
	[tilespmem:$0x50A0] =	vst v63  }
0x4a: {  	s16 =	sadd.s32 $0x400, s16  }
0x4b: {  	[tilespmem:s16], [sflag:$0x1] =	stream.indirect_vreg.gather [hbm:s9], $0x80, v0, vm1, $0x38;
	[tilespmem:$0x50A0] =	vst v63  }
0x4c: {  	s13 =	sshll.u32 s13, $0x4;
	_ =	swait.ge [sflag:s6], $0x2800  }
0x4d: {  	s13 =	sadd.s32 s13, s4;
	[sflag:s6] =	ssyncset.done $0x0  }
0x4e: {  	s17 =	sadd.s32 $0x0, s13;
	s16 =	simm.s32 $0x80;
	[sflag:s6] =	ssyncadd.s32 $0xFFFFD800  }
.LBB2_5:
0x4f: {  	[hbm:s17] =	stream.linear.scatter [tilespmem:s14], [sflag:$0x3], $0x400, $0x38;
	[tilespmem:$0x50A0] =	vst v63  }
0x50: {  	s17 =	smov.u32 s16;
	s14 =	smov.u32 s15;
	p1 =	sne.s32 s16, $0x480  }
.Ltmp4:
0x51: {  	s16 =	sadd.s32 $0x80, s16;
	(pc) =	sbr.rel @p1 .LBB2_5-.Ltmp4, $2  }
0x52: {  	_ =	sdelay $0x2  }
0x53: {  	s15 =	sadd.s32 $0x400, s15;
	s17 =	sadd.s32 s17, s13  }
.Ltmp5:
0x54: {  	_ = 	snop;
	(pc) =	sbr.rel .LBB2_6-.Ltmp5, $1  }
0x55: {  	_ =	sdelay $0x3  }
.LBB2_8:
0x56: {  	_ =	sfence.sel $0x180000  }
0x57: {  	s1 =	simm.s32 $0x2;
	[bflag:$0x0] =	sbarrier.arrive $0xFFFF  }
0x58: {  	s30 =	simm.s32 $0x3;
	[sflag:s1] =	ssyncpa.u1 $0x1  }
0x59: {  	s31 =	simm.s32 $0x1;
	[sflag:s30] =	ssyncpa.u1 $0x1  }
0x5a: {  	[sflag:s31] =	ssyncpa.u1 $0x1  }
0x5b: {  	p0 =	sne.s32 s0, $0x0;
	_ =	strace $0x90000047  }
0x5c: {  	s0 =	sadd.s32 @!p0 $0x100000, s2;
	[bflag:$0x2] =	sbarrier.arrive $0xFFFF  }
0x5d: {  	[sflag:s0] =	ssyncadd.tile.s32 @!p0 $0x1;
	_ =	shalt  }
.Lfunc_end2:
_tile_overlayer_lowered:
.L_overlay_start_2:
0x5e: {  	(tag) =	ssettag $0x2  }
0x5f: {  	s0 =	rddreg [dreg:$0x0];
	s2 =	stileid.u32  }
0x60: {  	s1 =	rddreg [dreg:$0x1];
	p0 =	sne.s32 s2, $0x0  }
0x61: {  	s3 =	rddreg [dreg:$0x2];
	[bflag:$0x3] =	sbarrier.arrive $0xFFFF;
	s2 =	simm.s32 @!p0 $0x1C01  }
0x62: {  	[timem:s3], [sflag:s2] =	dma.local @!p0 [hbm:s0], s1  }
0x63: {  	s0 =	simm.s32 @!p0 $0x1  }
0x64: {  	_ =	swait.ge @!p0 [sflag:s0], s1  }
0x65: {  	s1 =	ssub.s32 @!p0 $0x0, s1;
	[sflag:s0] =	ssyncset.done @!p0 $0x0  }
0x66: {  	[sflag:s0] =	ssyncadd.s32 @!p0 s1  }
0x67: {  	[bflag:$0x3] =	sbarrier.arrive $0xFFFF  }
0x68: {  	_ =	shalt  }

// kernel: gather_offload_async_start.3
scs
__scs_entry_jumppad:
0x0: {  	(pc) =	sbr.rel $0x88, $3  }
0x1: {  	(tag) =	ssettag $0x0;
	lr =	simm.s32 $0x1  }
0x2: {  	[smem:$0x3F9A] =	sst lr;
	_ =	strace $0xD0000000  }
0x3: {  	_ = 	snop  }
0x4: {  	_ = 	snop  }
0x5: {  	_ = 	snop  }
0x6: {  	_ = 	snop  }
0x7: {  	_ = 	snop  }
__scs_overlays_trampoline_lowered:
0x8: {  	[smem:$0x3FA9] =	sst s0  }
0x9: {  	[smem:$0x3FAA] =	sst s1  }
0xa: {  	[smem:$0x3FAB] =	sst s2  }
0xb: {  	[smem:$0x3FAC] =	sst s3  }
0xc: {  	[smem:$0x3FAD] =	sst s4  }
0xd: {  	[smem:$0x3FAE] =	sst s5  }
0xe: {  	[smem:$0x3FAF] =	sst s6  }
0xf: {  	[smem:$0x3FB0] =	sst s7  }
0x10: {  	[smem:$0x3FB1] =	sst s8  }
0x11: {  	[smem:$0x3FB2] =	sst s9;
	s0 =	simm.s32 @!p0 $0x0  }
0x12: {  	s1 =	sld [smem:$0x3F98];
	s0 =	simm.s32 @p0 $0x1  }
0x13: {  	[smem:$0x3FB3] =	sst s0;
	s0 =	simm.s32 @!p1 $0x0  }
0x14: {  	s2 =	sld [smem:$0x3F97];
	s0 =	simm.s32 @p1 $0x1  }
0x15: {  	[smem:$0x3FB4] =	sst s0;
	s0 =	simm.s32 @!p2 $0x0  }
0x16: {  	s3 =	sld [smem:$0x3FDB];
	s0 =	simm.s32 @p2 $0x1  }
0x17: {  	s4 =	simm.s32 $0x1BF5;
	[smem:$0x3FB6] =	sst s0  }
0x18: {  	s0 =	sld [smem:$0x3F99];
	_ =	swait.ge [sflag:s4], $0x0  }
0x19: {  	s7 =	sld [smem:$0x3F9A]  }
0x1a: {  	s8 =	sadd.s32 $0xFFFFE003, lr  }
0x1b: {  	s9 =	sadd.s32 $0xFFFFFEF7, lr;
	s5 =	simm.s32 $0xFFFFFFFF;
	p2 =	slt.u32 s8, $0xFFFFF086  }
0x1c: {  	p1 =	slt.u32 s9, $0xF7A;
	s5 =	simm.s32 @!p2 $0x0  }
0x1d: {  	s5 =	simm.s32 @p1 $0x1;
	p0 =	seq.s32 s7, s2  }
0x1e: {  	s7 =	smul.u32 @!p0 $0xF7A, s2;
	p2 =	seq.s32 @!p0 s5, $0x0  }
0x1f: {  	s9 =	smul.u32 $0xF7A, s1;
	s8 =	simm.s32 @!p0 $0x1BF5;
	p2 =	por !p2, p0  }
0x20: {  	[sflag:s8] =	ssyncset.s32 @!p0 $0xFFFFF086;
	s6 =	sadd.s32 @!p0 s3, s7;
	s7 =	simm.s32 @!p0 $0x108  }
0x21: {  	s3 =	sadd.s32 s3, s9;
	s6 =	sadd.s32 @!p0 $0x88, s6;
	s7 =	simm.s32 @p2 $0x1082  }
0x22: {  	[simem:s7], [sflag:s8] =	dma.local @!p0 [hbm:s6], $0xF7A  }
0x23: {  	s9 =	sor.u32 $0xD0000000, s2;
	s6 =	simm.s32 $0x108;
	_ =	swait.ge @!p0 [sflag:s8], $0x0  }
0x24: {  	s3 =	sadd.s32 $0x88, s3;
	s6 =	simm.s32 @!p1 $0x1082;
	[sflag:s4] =	ssyncset.s32 $0xFFFFF086  }
0x25: {  	[simem:s6], [sflag:s4] =	dma.local [hbm:s3], $0xF7A  }
0x26: {  	[smem:$0x3F9A] =	sst s1;
	(tag) =	ssettag s2;
	_ =	strace s9  }
0x27: {  	s1 =	sld [smem:$0x3FAA]  }
0x28: {  	s2 =	sld [smem:$0x3FAB]  }
0x29: {  	s4 =	sld [smem:$0x3FAD]  }
0x2a: {  	p0 =	seq.s32 s5, $0x0;
	s5 =	sld [smem:$0x3FAE]  }
0x2b: {  	s6 =	sld [smem:$0x3FAF]  }
0x2c: {  	s7 =	sld [smem:$0x3FB0]  }
0x2d: {  	s3 =	simm.s32 $0x108;
	s8 =	sld [smem:$0x3FB1]  }
0x2e: {  	s3 =	simm.s32 @!p0 $0x1082;
	s9 =	sld [smem:$0x3FB2]  }
0x2f: {  	lr =	sadd.s32 s0, s3;
	s0 =	sld [smem:$0x3FA9]  }
0x30: {  	s3 =	sld [smem:$0x3FAC]  }
0x31: {  	[smem:$0x3FB5] =	sst s10  }
0x32: {  	s10 =	sld [smem:$0x3FB3];
	_ =	sdelay $0x3  }
0x33: {  	p0 =	seq.s32 s10, $0x1;
	s10 =	sld [smem:$0x3FB5];
	_ =	sdelay $0x3  }
0x34: {  	[smem:$0x3FB5] =	sst s10  }
0x35: {  	s10 =	sld [smem:$0x3FB4];
	_ =	sdelay $0x3  }
0x36: {  	p1 =	seq.s32 s10, $0x1;
	s10 =	sld [smem:$0x3FB5];
	_ =	sdelay $0x3  }
0x37: {  	[smem:$0x3FB5] =	sst s10  }
0x38: {  	s10 =	sld [smem:$0x3FB6]  }
0x39: {  	_ = 	snop;
	(pc) =	sbr.ind lr, $3  }
0x3a: {  	_ = 	snop  }
0x3b: {  	_ = 	snop  }
0x3c: {  	p2 =	seq.s32 s10, $0x1;
	s10 =	sld [smem:$0x3FB5]  }
0x3d: {  	_ =	shalt  }
0x3e: {  	_ =	shalt  }
0x3f: {  	_ =	shalt  }
0x40: {  	_ =	shalt  }
0x41: {  	_ =	shalt  }
0x42: {  	_ =	shalt  }
0x43: {  	_ =	shalt  }
0x44: {  	_ =	shalt  }
0x45: {  	_ =	shalt  }
0x46: {  	_ =	shalt  }
0x47: {  	_ =	shalt  }
0x48: {  	_ =	shalt  }
0x49: {  	_ =	shalt  }
0x4a: {  	_ =	shalt  }
0x4b: {  	_ =	shalt  }
0x4c: {  	_ =	shalt  }
0x4d: {  	_ =	shalt  }
0x4e: {  	_ =	shalt  }
0x4f: {  	_ =	shalt  }
0x50: {  	_ =	shalt  }
0x51: {  	_ =	shalt  }
0x52: {  	_ =	shalt  }
0x53: {  	_ =	shalt  }
0x54: {  	_ =	shalt  }
0x55: {  	_ =	shalt  }
0x56: {  	_ =	shalt  }
0x57: {  	_ =	shalt  }
0x58: {  	_ =	shalt  }
0x59: {  	_ =	shalt  }
0x5a: {  	_ =	shalt  }
0x5b: {  	_ =	shalt  }
0x5c: {  	_ =	shalt  }
0x5d: {  	_ =	shalt  }
0x5e: {  	_ =	shalt  }
0x5f: {  	_ =	shalt  }
0x60: {  	_ =	shalt  }
0x61: {  	_ =	shalt  }
0x62: {  	_ =	shalt  }
0x63: {  	_ =	shalt  }
0x64: {  	_ =	shalt  }
0x65: {  	_ =	shalt  }
0x66: {  	_ =	shalt  }
0x67: {  	_ =	shalt  }
0x68: {  	_ =	shalt  }
0x69: {  	_ =	shalt  }
0x6a: {  	_ =	shalt  }
0x6b: {  	_ =	shalt  }
0x6c: {  	_ =	shalt  }
0x6d: {  	_ =	shalt  }
0x6e: {  	_ =	shalt  }
0x6f: {  	_ =	shalt  }
0x70: {  	_ =	shalt  }
0x71: {  	_ =	shalt  }
0x72: {  	_ =	shalt  }
0x73: {  	_ =	shalt  }
0x74: {  	_ =	shalt  }
0x75: {  	_ =	shalt  }
0x76: {  	_ =	shalt  }
0x77: {  	_ =	shalt  }
0x78: {  	_ =	shalt  }
0x79: {  	_ =	shalt  }
0x7a: {  	_ =	shalt  }
0x7b: {  	_ =	shalt  }
0x7c: {  	_ =	shalt  }
0x7d: {  	_ =	shalt  }
0x7e: {  	_ =	shalt  }
0x7f: {  	_ =	shalt  }
0x80: {  	_ =	shalt  }
0x81: {  	_ =	shalt  }
0x82: {  	_ =	shalt  }
0x83: {  	_ =	shalt  }
0x84: {  	_ =	shalt  }
0x85: {  	_ =	shalt  }
0x86: {  	_ =	shalt  }
0x87: {  	_ =	shalt  }
.Lfunc_end0:
.L_simem_size_0:
called_computation.3_lowered:
.L_overlay_start_0:
0x88: {  	s0 =	sld [smem:$0x3FD9]  }
0x89: {  	s1 =	sld [smem:$0x3FFE];
	_ =	sdelay $0x3  }
0x8a: {  	s0 =	sadd.s32 s1, s0  }
0x8b: {  	[smem:$0x3FC1] =	sst s0  }
0x8c: {  	_ = 	snop  }
0x8d: {  	s0 =	sld [smem:$0x3FD0];
	_ =	sdelay $0x2  }
0x8e: {  	s13 =	simm.s32 $0xB;
	s2 =	simm.s32 $0x10  }
0x8f: {  	[smem:s2], [sflag:s13] =	dma.local [hbm:s0], $0x1  }
0x90: {  	_ =	swait.eq [sflag:s13], $0x1  }
0x91: {  	[sflag:s13] =	ssyncset.done $0x0  }
0x92: {  	[sflag:s13] =	ssyncadd.s32 $0xFFFFFFFF  }
0x93: {  	s14 =	sld [smem:$0x10];
	(tm) =	ssettm $0x1  }
0x94: {  	s15 =	sld [smem:$0x3FFB];
	_ =	sdelay $0x3  }
0x95: {  	_ =	strace s15  }
0x96: {  	s1 =	sld [smem:$0x3FFC];
	_ =	sdelay $0x3  }
0x97: {  	_ =	strace s1  }
0x98: {  	s1 =	sld [smem:$0x3FFD];
	_ =	sdelay $0x3  }
0x99: {  	_ =	strace s1  }
0x9a: {  	_ =	strace $0x8FFFFFFF  }
0x9b: {  	s16 =	sld [smem:$0x3FDB];
	_ =	sdelay $0x1  }
0x9c: {  	s17 =	simm.s32 $_scs_section_size  }
0x9d: {  	s3 =	simm.s32 $_size__tile_overlayer_lowered;
	s4 =	simm.s32 $_tile_overlayer_lowered  }
0x9e: {  	s20 =	simm.s32 $0x1BFF;
	s19 =	sshll.u32 s4, $0x1;
	s1 =	sadd.s32 s17, s16  }
0x9f: {  	s5 =	simm.s32 $0x0;
	s18 =	sshll.u32 s3, $0x1;
	s3 =	sadd.s32 s19, s1  }
0xa0: {  	[timem:s5], [sflag:s20] =	dma.local [hbm:s3], s18  }
0xa1: {  	_ =	swait.ge [sflag:s20], s18  }
0xa2: {  	s2 =	ssub.s32 $0x0, s18;
	[sflag:s20] =	ssyncset.done $0x0  }
0xa3: {  	[sflag:s20] =	ssyncadd.s32 s2;
	_ =	sdelay $0x1  }
0xa4: {  	s21 =	simm.s32 $0x1B8B  }
0xa5: {  	_ =	swait.ge [sflag:s21], $0x1  }
0xa6: {  	[sflag:s21] =	ssyncset.done $0x0  }
0xa7: {  	s23 =	simm.s32 $0x1B8E;
	s22 =	sld [smem:$0x3FFE];
	[sflag:s21] =	ssyncadd.s32 $0xFFFFFFFF  }
0xa8: {  	s24 =	simm.s32 $execute0_lowered;
	[smem:$0x3FD2] =	sst s23  }
0xa9: {  	s3 =	sshll.u32 s24, $0x1;
	_ =	strace $0x80000049;
	[dreg:$0x1] =	wrdreg $0xFFFFFFFF  }
0xaa: {  	s25 =	simm.s32 $_size_execute0_lowered;
	s1 =	sadd.s32 s1, s3;
	[dreg:$0x0] =	wrdreg $0x0  }
0xab: {  	s3 =	sshll.u32 s25, $0x1;
	[dreg:$0x2] =	wrdreg s1  }
0xac: {  	[dreg:$0x3] =	wrdreg s3  }
0xad: {  	[dreg:$0x4] =	wrdreg $0xC0  }
0xae: {  	_ =	task [dreg:s5], $0x5FFFF  }
0xaf: {  	[dreg:$0x1] =	wrdreg $0xFFFFFFFF  }
0xb0: {  	[dreg:$0x0] =	wrdreg $0x60  }
0xb1: {  	[dreg:$0x2] =	wrdreg s22  }
0xb2: {  	[dreg:$0x3] =	wrdreg s14  }
0xb3: {  	[dreg:$0x4] =	wrdreg $0xA  }
0xb4: {  	_ =	task.clear_ibuf [dreg:s5], $0x5FFFF;
	_ =	strace $0x90000049  }
0xb5: {  	s26 =	simm.s32 $0xA;
	_ =	strace $0x8000004B  }
0xb6: {  	_ =	swait.ge [sflag:s26], $0x1  }
0xb7: {  	[sflag:s26] =	ssyncadd.s32 $0xFFFFFFFF  }
0xb8: {  	_ =	strace $0x9000004B  }
0xb9: {  	_ =	sfence  }
0xba: {  	s28 =	sld [smem:$0x0];
	_ =	sdelay $0x1  }
0xbb: {  	s29 =	srdreg.scid  }
0xbc: {  	s30 =	sshll.u32 s29, $0xD;
	s31 =	sshrl.u32 s29, $0x2  }
0xbd: {  	s2 =	sand.u32 $0x4000, s30;
	s1 =	sand.u32 $0x1, s29;
	s0 =	sadd.s32 s31, s28  }
0xbe: {  	s1 =	sor.u32 s2, s1;
	s0 =	sshll.u32 s0, $0x11  }
0xbf: {  	s0 =	sor.u32 s0, s1  }
0xc0: {  	s0 =	sadd.s32 $0x8F2B, s0  }
0xc1: {  	[sflag:s0] =	ssyncadd.remote.s32 $0x1  }
0xc2: {  	_ =	sfence.sel $0xFFFF  }
0xc3: {  	[dreg:$0x0] =	wrdreg $0xFFFFFFFF;
	(pc) =	sbr.abs _section_cstart, $3  }
0xc4: {  	[dreg:$0x1] =	wrdreg $0xFFFFFFFF  }
0xc5: {  	_ =	task.clear_ibuf [dreg:s5], $0x2FFFF;
	_ =	strace $0x9FFFFFFF  }
0xc6: {  	(tm) =	ssettm $0x7FFFFFFF  }
0xc7: {  	_ =	shalt  }
tec
execute0_lowered:
.L_overlay_start_1:
0x0: {  	(tag) =	ssettag $0x1  }
0x1: {  	s0 =	stileid.u32  }
0x2: {  	s1 =	smin.u32 s0, $0x9  }
0x3: {  	s1 =	sadd.s32 s0, s1  }
0x4: {  	s2 =	simm.s32 $0xA0;
	p0 =	slt.u32 s0, $0x9;
	s1 =	smul.u32 $0x50, s1  }
0x5: {  	s2 =	simm.s32 @!p0 $0x50  }
0x6: {  	s2 =	sadd.s32 s2, s1  }
0x7: {  	s3 =	smin.u32 s2, $0x7D0  }
0x8: {  	s7 =	ssub.s32 s3, s1  }
0x9: {  	p0 =	sgt.s32 s7, $0x0  }
0xa: {  	s7 =	simm.s32 @!p0 $0x0  }
0xb: {  	s9 =	rddreg [dreg:$0x0];
	s31 =	smul.u32 $0xCCCD, s7  }
0xc: {  	s4 =	rddreg [dreg:$0x1];
	s6 =	simm.s32 $0x1  }
0xd: {  	s11 =	simm.s32 $0x3;
	s13 =	simm.s32 $0x0;
	s8 =	sshrl.u32 s31, $0x16  }
0xe: {  	s12 =	simm.s32 $0x0;
	s5 =	sadd.s32 $0x271000, s9;
	s10 =	smul.u32 $0x50, s8  }
.Ltmp0:
0xf: {  	s9 =	sadd.s32 $0x7E00, s9;
	s2 =	rddreg [dreg:$0x2];
	(pc) =	sbr.rel .LBB2_1-.Ltmp0, $4  }
0x10: {  	_ =	strace $0x8000004A;
	p0 =	sne.s32 s7, s10;
	s10 =	simm.s32 $0x1  }
0x11: {  	[sflag:s6] =	ssyncpa.u1 $0x0;
	s7 =	simm.s32 $0x2;
	s10 =	simm.s32 @!p0 $0x0  }
0x12: {  	[sflag:s7] =	ssyncpa.u1 $0x0;
	p0 =	por $0x0, $0x0;
	s8 =	sadd.s32 s8, s10  }
0x13: {  	vm0 =	vmmov $0xff;
	vm1 =	vcmask $0x3F20;
	[sflag:s11] =	ssyncpa.u1 $0x0;
	s11 =	smov.u32 s1;
	s10 =	sadd.s32 $0x1, s8  }
.LBB2_6:
0x14: {  	[hbm:s17] =	stream.linear.scatter [tilespmem:s14], [sflag:$0x3], $0x400, $0x38;
	[tilespmem:$0x50A0] =	vst v63  }
.LBB2_7:
0x15: {  	s13 =	sadd.s32 $0x50, s11  }
0x16: {  	s15 =	smov.u32 s1;
	p2 =	slt.s32 s13, s3  }
0x17: {  	s15 =	smov.u32 @p2 s13;
	p2 =	sne.s32 s12, s10  }
.Ltmp1:
0x18: {  	p1 =	slt.u32 s12, $0x2;
	(pc) =	sbr.rel @!p2 .LBB2_8-.Ltmp1, $4  }
0x19: {  	s14 =	simm.s32 @!p1 $0x3  }
0x1a: {  	s16 =	sadd.s32 $0x1, s12;
	_ =	swait.ge @!p1 [sflag:s14], $0x2800  }
0x1b: {  	p0 =	por !p0, !p0;
	s13 =	smov.u32 s11;
	[sflag:s14] =	ssyncset.done @!p1 $0x0  }
0x1c: {  	s12 =	smov.u32 s16;
	s11 =	smov.u32 s15;
	[sflag:s14] =	ssyncadd.s32 @!p1 $0xFFFFD800  }
.LBB2_1:
0x1d: {  	p1 =	sge.u32 s12, s8  }
0x1e: {  	s14 =	sxor.u32 @!p1 $0xFFFFFFFF, s12  }
0x1f: {  	s14 =	sand.u32 @!p1 $0x1, s14  }
0x20: {  	s14 =	smul.u32 @!p1 $0x140, s14  }
0x21: {  	s31 =	sadd.s32 $0xFFFFFFFF, s12;
	s15 =	sshrl.u32 @!p1 s11, $0x3  }
0x22: {  	s16 =	sand.u32 @!p1 $0x7, s11;
	s15 =	sadd.s32 @!p1 s4, s15;
	s14 =	sshrl.u32 @!p1 s14, $0x2  }
0x23: {  	[tilespmem:s14], [sflag:$0x2] =	stream.linear.gather @!p1 [hbm4b:s15+s16], $0x50, $0x38;
	[tilespmem:$0x50A0] =	vst v63  }
0x24: {  	p1 =	sge.u32 s31, s8  }
.Ltmp2:
0x25: {  	_ = 	snop;
	(pc) =	sbr.rel @p1 .LBB2_7-.Ltmp2, $1  }
0x26: {  	_ =	sdelay $0x3  }
0x27: {  	s14 =	simm.s32 $0x1  }
0x28: {  	s14 =	simm.s32 @!p0 $0x0  }
0x29: {  	s15 =	smul.u32 $0x140, s14  }
0x2a: {  	_ =	swait.ge [sflag:s7], $0x50  }
0x2b: {  	[sflag:s7] =	ssyncset.done $0x0;
	s16 =	sshrl.u32 s15, $0x2  }
0x2c: {  	[sflag:s7] =	ssyncadd.s32 $0xFFFFFFB0;
	s15 =	sadd.s32 $0x0, s16  }
0x2d: {  	v0 =	vld.msk [tilespmem:s15+$0x0 ss:$0x1], $0xffff;
	_ =	sdelay $0x4  }
0x2e: {  	vm2 =	vgt.s32 v0, $0x0  }
0x2f: {  	v0 =	vnsel vm2, $0x0, v0  }
0x30: {  	v0 =	vmin.u32 v0, $0x1D4BF  }
0x31: {  	v0 =	vshll.u32 v0, $0x4  }
0x32: {  	s14 =	smul.u32 $0xA000, s14;
	_ =	sdelay $0x1  }
0x33: {  	s14 =	sshrl.u32 s14, $0x2  }
0x34: {  	s14 =	sor.u32 $0xA0, s14  }
0x35: {  	[tilespmem:s14], [sflag:$0x1] =	stream.indirect_vreg.gather [hbm:s5], $0x80, v0, vm0, $0x38;
	[tilespmem:$0x50A0] =	vst v63  }
0x36: {  	s17 =	sadd.s32 $0x10, s16;
	s15 =	sadd.s32 $0x400, s14  }
0x37: {  	[tilespmem:s15], [sflag:$0x1] =	stream.indirect_vreg.gather [hbm:s5], $0x80, v0, vm1, $0x38;
	[tilespmem:$0x50A0] =	vst v63  }
0x38: {  	s18 =	simm.s32 $0x80;
	v0 =	vld.msk [tilespmem:s17+$0x0 ss:$0x1], $0xffff;
	s17 =	smov.u32 s14  }
.LBB2_3:
0x39: {  	p1 =	sne.s32 s18, $0x100;
	_ =	sdelay $0x4  }
0x3a: {  	vm2 =	vgt.s32 v0, $0x0  }
0x3b: {  	v0 =	vnsel vm2, $0x0, v0  }
0x3c: {  	v0 =	vmin.u32 v0, $0x1D4BF  }
0x3d: {  	v0 =	vshll.u32 v0, $0x4;
	_ =	sdelay $0x3  }
.Ltmp3:
0x3e: {  	s19 =	sshra.s32 s18, $0x2;
	s17 =	sadd.s32 $0x800, s17;
	(pc) =	sbr.rel @p1 .LBB2_3-.Ltmp3, $4  }
0x3f: {  	[tilespmem:s17], [sflag:$0x1] =	stream.indirect_vreg.gather [hbm:s5], $0x80, v0, vm0, $0x38;
	[tilespmem:$0x50A0] =	vst v63  }
0x40: {  	s19 =	sadd.s32 s19, s16;
	s20 =	sadd.s32 $0x400, s17  }
0x41: {  	[tilespmem:s20], [sflag:$0x1] =	stream.indirect_vreg.gather [hbm:s5], $0x80, v0, vm1, $0x38;
	[tilespmem:$0x50A0] =	vst v63  }
0x42: {  	s18 =	sadd.s32 $0x40, s18;
	v0 =	vld.msk [tilespmem:s19+$0x0 ss:$0x1], $0xffff  }
0x43: {  	_ =	sdelay $0x3  }
0x44: {  	vm2 =	vgt.s32 v0, $0x0  }
0x45: {  	v0 =	vnsel vm2, $0x0, v0  }
0x46: {  	v0 =	vmin.u32 v0, $0x1D4BF  }
0x47: {  	v0 =	vshll.u32 v0, $0x4;
	_ =	sdelay $0x3  }
0x48: {  	s16 =	sadd.s32 $0x800, s17  }
0x49: {  	[tilespmem:s16], [sflag:$0x1] =	stream.indirect_vreg.gather [hbm:s5], $0x80, v0, vm0, $0x38;
	[tilespmem:$0x50A0] =	vst v63  }
0x4a: {  	s16 =	sadd.s32 $0x400, s16  }
0x4b: {  	[tilespmem:s16], [sflag:$0x1] =	stream.indirect_vreg.gather [hbm:s5], $0x80, v0, vm1, $0x38;
	[tilespmem:$0x50A0] =	vst v63  }
0x4c: {  	s13 =	sshll.u32 s13, $0x4;
	_ =	swait.ge [sflag:s6], $0x2800  }
0x4d: {  	s13 =	sadd.s32 s13, s9;
	[sflag:s6] =	ssyncset.done $0x0  }
0x4e: {  	s17 =	sadd.s32 $0x0, s13;
	s16 =	simm.s32 $0x80;
	[sflag:s6] =	ssyncadd.s32 $0xFFFFD800  }
.LBB2_5:
0x4f: {  	[hbm:s17] =	stream.linear.scatter [tilespmem:s14], [sflag:$0x3], $0x400, $0x38;
	[tilespmem:$0x50A0] =	vst v63  }
0x50: {  	s17 =	smov.u32 s16;
	s14 =	smov.u32 s15;
	p1 =	sne.s32 s16, $0x480  }
.Ltmp4:
0x51: {  	s16 =	sadd.s32 $0x80, s16;
	(pc) =	sbr.rel @p1 .LBB2_5-.Ltmp4, $2  }
0x52: {  	_ =	sdelay $0x2  }
0x53: {  	s15 =	sadd.s32 $0x400, s15;
	s17 =	sadd.s32 s17, s13  }
.Ltmp5:
0x54: {  	_ = 	snop;
	(pc) =	sbr.rel .LBB2_6-.Ltmp5, $1  }
0x55: {  	_ =	sdelay $0x3  }
.LBB2_8:
0x56: {  	_ =	sfence.sel $0x180000  }
0x57: {  	s1 =	simm.s32 $0x2;
	[bflag:$0x0] =	sbarrier.arrive $0xFFFF  }
0x58: {  	s30 =	simm.s32 $0x3;
	[sflag:s1] =	ssyncpa.u1 $0x1  }
0x59: {  	s31 =	simm.s32 $0x1;
	[sflag:s30] =	ssyncpa.u1 $0x1  }
0x5a: {  	[sflag:s31] =	ssyncpa.u1 $0x1  }
0x5b: {  	p0 =	sne.s32 s0, $0x0;
	_ =	strace $0x9000004A  }
0x5c: {  	s0 =	sadd.s32 @!p0 $0x100000, s2;
	[bflag:$0x2] =	sbarrier.arrive $0xFFFF  }
0x5d: {  	[sflag:s0] =	ssyncadd.tile.s32 @!p0 $0x1;
	_ =	shalt  }
.Lfunc_end2:
_tile_overlayer_lowered:
.L_overlay_start_2:
0x5e: {  	(tag) =	ssettag $0x2  }
0x5f: {  	s0 =	rddreg [dreg:$0x0];
	s2 =	stileid.u32  }
0x60: {  	s1 =	rddreg [dreg:$0x1];
	p0 =	sne.s32 s2, $0x0  }
0x61: {  	s3 =	rddreg [dreg:$0x2];
	[bflag:$0x3] =	sbarrier.arrive $0xFFFF;
	s2 =	simm.s32 @!p0 $0x1C01  }
0x62: {  	[timem:s3], [sflag:s2] =	dma.local @!p0 [hbm:s0], s1  }
0x63: {  	s0 =	simm.s32 @!p0 $0x1  }
0x64: {  	_ =	swait.ge @!p0 [sflag:s0], s1  }
0x65: {  	s1 =	ssub.s32 @!p0 $0x0, s1;
	[sflag:s0] =	ssyncset.done @!p0 $0x0  }
0x66: {  	[sflag:s0] =	ssyncadd.s32 @!p0 s1  }
0x67: {  	[bflag:$0x3] =	sbarrier.arrive $0xFFFF  }
0x68: {  	_ =	shalt  }

// kernel: gather_offload_async_start
scs
__scs_entry_jumppad:
0x0: {  	(pc) =	sbr.rel $0x88, $3  }
0x1: {  	(tag) =	ssettag $0x0;
	lr =	simm.s32 $0x1  }
0x2: {  	[smem:$0x3F9A] =	sst lr;
	_ =	strace $0xD0000000  }
0x3: {  	_ = 	snop  }
0x4: {  	_ = 	snop  }
0x5: {  	_ = 	snop  }
0x6: {  	_ = 	snop  }
0x7: {  	_ = 	snop  }
__scs_overlays_trampoline_lowered:
0x8: {  	[smem:$0x3FA9] =	sst s0  }
0x9: {  	[smem:$0x3FAA] =	sst s1  }
0xa: {  	[smem:$0x3FAB] =	sst s2  }
0xb: {  	[smem:$0x3FAC] =	sst s3  }
0xc: {  	[smem:$0x3FAD] =	sst s4  }
0xd: {  	[smem:$0x3FAE] =	sst s5  }
0xe: {  	[smem:$0x3FAF] =	sst s6  }
0xf: {  	[smem:$0x3FB0] =	sst s7  }
0x10: {  	[smem:$0x3FB1] =	sst s8  }
0x11: {  	[smem:$0x3FB2] =	sst s9;
	s0 =	simm.s32 @!p0 $0x0  }
0x12: {  	s1 =	sld [smem:$0x3F98];
	s0 =	simm.s32 @p0 $0x1  }
0x13: {  	[smem:$0x3FB3] =	sst s0;
	s0 =	simm.s32 @!p1 $0x0  }
0x14: {  	s2 =	sld [smem:$0x3F97];
	s0 =	simm.s32 @p1 $0x1  }
0x15: {  	[smem:$0x3FB4] =	sst s0;
	s0 =	simm.s32 @!p2 $0x0  }
0x16: {  	s3 =	sld [smem:$0x3FDB];
	s0 =	simm.s32 @p2 $0x1  }
0x17: {  	s4 =	simm.s32 $0x1BF5;
	[smem:$0x3FB6] =	sst s0  }
0x18: {  	s0 =	sld [smem:$0x3F99];
	_ =	swait.ge [sflag:s4], $0x0  }
0x19: {  	s7 =	sld [smem:$0x3F9A]  }
0x1a: {  	s8 =	sadd.s32 $0xFFFFE003, lr  }
0x1b: {  	s9 =	sadd.s32 $0xFFFFFEF7, lr;
	s5 =	simm.s32 $0xFFFFFFFF;
	p2 =	slt.u32 s8, $0xFFFFF086  }
0x1c: {  	p1 =	slt.u32 s9, $0xF7A;
	s5 =	simm.s32 @!p2 $0x0  }
0x1d: {  	s5 =	simm.s32 @p1 $0x1;
	p0 =	seq.s32 s7, s2  }
0x1e: {  	s7 =	smul.u32 @!p0 $0xF7A, s2;
	p2 =	seq.s32 @!p0 s5, $0x0  }
0x1f: {  	s9 =	smul.u32 $0xF7A, s1;
	s8 =	simm.s32 @!p0 $0x1BF5;
	p2 =	por !p2, p0  }
0x20: {  	[sflag:s8] =	ssyncset.s32 @!p0 $0xFFFFF086;
	s6 =	sadd.s32 @!p0 s3, s7;
	s7 =	simm.s32 @!p0 $0x108  }
0x21: {  	s3 =	sadd.s32 s3, s9;
	s6 =	sadd.s32 @!p0 $0x88, s6;
	s7 =	simm.s32 @p2 $0x1082  }
0x22: {  	[simem:s7], [sflag:s8] =	dma.local @!p0 [hbm:s6], $0xF7A  }
0x23: {  	s9 =	sor.u32 $0xD0000000, s2;
	s6 =	simm.s32 $0x108;
	_ =	swait.ge @!p0 [sflag:s8], $0x0  }
0x24: {  	s3 =	sadd.s32 $0x88, s3;
	s6 =	simm.s32 @!p1 $0x1082;
	[sflag:s4] =	ssyncset.s32 $0xFFFFF086  }
0x25: {  	[simem:s6], [sflag:s4] =	dma.local [hbm:s3], $0xF7A  }
0x26: {  	[smem:$0x3F9A] =	sst s1;
	(tag) =	ssettag s2;
	_ =	strace s9  }
0x27: {  	s1 =	sld [smem:$0x3FAA]  }
0x28: {  	s2 =	sld [smem:$0x3FAB]  }
0x29: {  	s4 =	sld [smem:$0x3FAD]  }
0x2a: {  	p0 =	seq.s32 s5, $0x0;
	s5 =	sld [smem:$0x3FAE]  }
0x2b: {  	s6 =	sld [smem:$0x3FAF]  }
0x2c: {  	s7 =	sld [smem:$0x3FB0]  }
0x2d: {  	s3 =	simm.s32 $0x108;
	s8 =	sld [smem:$0x3FB1]  }
0x2e: {  	s3 =	simm.s32 @!p0 $0x1082;
	s9 =	sld [smem:$0x3FB2]  }
0x2f: {  	lr =	sadd.s32 s0, s3;
	s0 =	sld [smem:$0x3FA9]  }
0x30: {  	s3 =	sld [smem:$0x3FAC]  }
0x31: {  	[smem:$0x3FB5] =	sst s10  }
0x32: {  	s10 =	sld [smem:$0x3FB3];
	_ =	sdelay $0x3  }
0x33: {  	p0 =	seq.s32 s10, $0x1;
	s10 =	sld [smem:$0x3FB5];
	_ =	sdelay $0x3  }
0x34: {  	[smem:$0x3FB5] =	sst s10  }
0x35: {  	s10 =	sld [smem:$0x3FB4];
	_ =	sdelay $0x3  }
0x36: {  	p1 =	seq.s32 s10, $0x1;
	s10 =	sld [smem:$0x3FB5];
	_ =	sdelay $0x3  }
0x37: {  	[smem:$0x3FB5] =	sst s10  }
0x38: {  	s10 =	sld [smem:$0x3FB6]  }
0x39: {  	_ = 	snop;
	(pc) =	sbr.ind lr, $3  }
0x3a: {  	_ = 	snop  }
0x3b: {  	_ = 	snop  }
0x3c: {  	p2 =	seq.s32 s10, $0x1;
	s10 =	sld [smem:$0x3FB5]  }
0x3d: {  	_ =	shalt  }
0x3e: {  	_ =	shalt  }
0x3f: {  	_ =	shalt  }
0x40: {  	_ =	shalt  }
0x41: {  	_ =	shalt  }
0x42: {  	_ =	shalt  }
0x43: {  	_ =	shalt  }
0x44: {  	_ =	shalt  }
0x45: {  	_ =	shalt  }
0x46: {  	_ =	shalt  }
0x47: {  	_ =	shalt  }
0x48: {  	_ =	shalt  }
0x49: {  	_ =	shalt  }
0x4a: {  	_ =	shalt  }
0x4b: {  	_ =	shalt  }
0x4c: {  	_ =	shalt  }
0x4d: {  	_ =	shalt  }
0x4e: {  	_ =	shalt  }
0x4f: {  	_ =	shalt  }
0x50: {  	_ =	shalt  }
0x51: {  	_ =	shalt  }
0x52: {  	_ =	shalt  }
0x53: {  	_ =	shalt  }
0x54: {  	_ =	shalt  }
0x55: {  	_ =	shalt  }
0x56: {  	_ =	shalt  }
0x57: {  	_ =	shalt  }
0x58: {  	_ =	shalt  }
0x59: {  	_ =	shalt  }
0x5a: {  	_ =	shalt  }
0x5b: {  	_ =	shalt  }
0x5c: {  	_ =	shalt  }
0x5d: {  	_ =	shalt  }
0x5e: {  	_ =	shalt  }
0x5f: {  	_ =	shalt  }
0x60: {  	_ =	shalt  }
0x61: {  	_ =	shalt  }
0x62: {  	_ =	shalt  }
0x63: {  	_ =	shalt  }
0x64: {  	_ =	shalt  }
0x65: {  	_ =	shalt  }
0x66: {  	_ =	shalt  }
0x67: {  	_ =	shalt  }
0x68: {  	_ =	shalt  }
0x69: {  	_ =	shalt  }
0x6a: {  	_ =	shalt  }
0x6b: {  	_ =	shalt  }
0x6c: {  	_ =	shalt  }
0x6d: {  	_ =	shalt  }
0x6e: {  	_ =	shalt  }
0x6f: {  	_ =	shalt  }
0x70: {  	_ =	shalt  }
0x71: {  	_ =	shalt  }
0x72: {  	_ =	shalt  }
0x73: {  	_ =	shalt  }
0x74: {  	_ =	shalt  }
0x75: {  	_ =	shalt  }
0x76: {  	_ =	shalt  }
0x77: {  	_ =	shalt  }
0x78: {  	_ =	shalt  }
0x79: {  	_ =	shalt  }
0x7a: {  	_ =	shalt  }
0x7b: {  	_ =	shalt  }
0x7c: {  	_ =	shalt  }
0x7d: {  	_ =	shalt  }
0x7e: {  	_ =	shalt  }
0x7f: {  	_ =	shalt  }
0x80: {  	_ =	shalt  }
0x81: {  	_ =	shalt  }
0x82: {  	_ =	shalt  }
0x83: {  	_ =	shalt  }
0x84: {  	_ =	shalt  }
0x85: {  	_ =	shalt  }
0x86: {  	_ =	shalt  }
0x87: {  	_ =	shalt  }
.Lfunc_end0:
.L_simem_size_0:
called_computation_lowered:
.L_overlay_start_0:
0x88: {  	s0 =	sld [smem:$0x3FD9]  }
0x89: {  	s1 =	sld [smem:$0x3FFE];
	_ =	sdelay $0x3  }
0x8a: {  	s0 =	sadd.s32 s1, s0  }
0x8b: {  	[smem:$0x3FC1] =	sst s0  }
0x8c: {  	_ = 	snop  }
0x8d: {  	s0 =	sld [smem:$0x3FD0];
	_ =	sdelay $0x2  }
0x8e: {  	s13 =	simm.s32 $0xB;
	s2 =	simm.s32 $0x10  }
0x8f: {  	[smem:s2], [sflag:s13] =	dma.local [hbm:s0], $0x1  }
0x90: {  	_ =	swait.eq [sflag:s13], $0x1  }
0x91: {  	[sflag:s13] =	ssyncset.done $0x0  }
0x92: {  	[sflag:s13] =	ssyncadd.s32 $0xFFFFFFFF  }
0x93: {  	s14 =	sld [smem:$0x10];
	(tm) =	ssettm $0x1  }
0x94: {  	s15 =	sld [smem:$0x3FFB];
	_ =	sdelay $0x3  }
0x95: {  	_ =	strace s15  }
0x96: {  	s1 =	sld [smem:$0x3FFC];
	_ =	sdelay $0x3  }
0x97: {  	_ =	strace s1  }
0x98: {  	s1 =	sld [smem:$0x3FFD];
	_ =	sdelay $0x3  }
0x99: {  	_ =	strace s1  }
0x9a: {  	_ =	strace $0x8FFFFFFF  }
0x9b: {  	s16 =	sld [smem:$0x3FDB];
	_ =	sdelay $0x1  }
0x9c: {  	s17 =	simm.s32 $_scs_section_size  }
0x9d: {  	s3 =	simm.s32 $_size__tile_overlayer_lowered;
	s4 =	simm.s32 $_tile_overlayer_lowered  }
0x9e: {  	s20 =	simm.s32 $0x1BFF;
	s19 =	sshll.u32 s4, $0x1;
	s1 =	sadd.s32 s17, s16  }
0x9f: {  	s5 =	simm.s32 $0x0;
	s18 =	sshll.u32 s3, $0x1;
	s3 =	sadd.s32 s19, s1  }
0xa0: {  	[timem:s5], [sflag:s20] =	dma.local [hbm:s3], s18  }
0xa1: {  	_ =	swait.ge [sflag:s20], s18  }
0xa2: {  	s2 =	ssub.s32 $0x0, s18;
	[sflag:s20] =	ssyncset.done $0x0  }
0xa3: {  	[sflag:s20] =	ssyncadd.s32 s2;
	_ =	sdelay $0x1  }
0xa4: {  	s21 =	simm.s32 $0x1B8B  }
0xa5: {  	_ =	swait.ge [sflag:s21], $0x1  }
0xa6: {  	[sflag:s21] =	ssyncset.done $0x0  }
0xa7: {  	s23 =	simm.s32 $0x1B8E;
	s22 =	sld [smem:$0x3FFE];
	[sflag:s21] =	ssyncadd.s32 $0xFFFFFFFF  }
0xa8: {  	s24 =	simm.s32 $execute0_lowered;
	[smem:$0x3FD2] =	sst s23  }
0xa9: {  	s3 =	sshll.u32 s24, $0x1;
	_ =	strace $0x8000004F;
	[dreg:$0x1] =	wrdreg $0xFFFFFFFF  }
0xaa: {  	s25 =	simm.s32 $_size_execute0_lowered;
	s1 =	sadd.s32 s1, s3;
	[dreg:$0x0] =	wrdreg $0x0  }
0xab: {  	s3 =	sshll.u32 s25, $0x1;
	[dreg:$0x2] =	wrdreg s1  }
0xac: {  	[dreg:$0x3] =	wrdreg s3  }
0xad: {  	[dreg:$0x4] =	wrdreg $0xC0  }
0xae: {  	_ =	task [dreg:s5], $0x5FFFF  }
0xaf: {  	[dreg:$0x1] =	wrdreg $0xFFFFFFFF  }
0xb0: {  	[dreg:$0x0] =	wrdreg $0x60  }
0xb1: {  	[dreg:$0x2] =	wrdreg s22  }
0xb2: {  	[dreg:$0x3] =	wrdreg s14  }
0xb3: {  	[dreg:$0x4] =	wrdreg $0x9  }
0xb4: {  	_ =	task.clear_ibuf [dreg:s5], $0x5FFFF;
	_ =	strace $0x9000004F  }
0xb5: {  	s26 =	simm.s32 $0x9;
	_ =	strace $0x80000051  }
0xb6: {  	_ =	swait.ge [sflag:s26], $0x1  }
0xb7: {  	[sflag:s26] =	ssyncadd.s32 $0xFFFFFFFF  }
0xb8: {  	_ =	strace $0x90000051  }
0xb9: {  	_ =	sfence  }
0xba: {  	s28 =	sld [smem:$0x0];
	_ =	sdelay $0x1  }
0xbb: {  	s29 =	srdreg.scid  }
0xbc: {  	s30 =	sshll.u32 s29, $0xD;
	s31 =	sshrl.u32 s29, $0x2  }
0xbd: {  	s2 =	sand.u32 $0x4000, s30;
	s1 =	sand.u32 $0x1, s29;
	s0 =	sadd.s32 s31, s28  }
0xbe: {  	s1 =	sor.u32 s2, s1;
	s0 =	sshll.u32 s0, $0x11  }
0xbf: {  	s0 =	sor.u32 s0, s1  }
0xc0: {  	s0 =	sadd.s32 $0x8F2B, s0  }
0xc1: {  	[sflag:s0] =	ssyncadd.remote.s32 $0x1  }
0xc2: {  	_ =	sfence.sel $0xFFFF  }
0xc3: {  	[dreg:$0x0] =	wrdreg $0xFFFFFFFF;
	(pc) =	sbr.abs _section_cstart, $3  }
0xc4: {  	[dreg:$0x1] =	wrdreg $0xFFFFFFFF  }
0xc5: {  	_ =	task.clear_ibuf [dreg:s5], $0x2FFFF;
	_ =	strace $0x9FFFFFFF  }
0xc6: {  	(tm) =	ssettm $0x7FFFFFFF  }
0xc7: {  	_ =	shalt  }
tec
execute0_lowered:
.L_overlay_start_1:
0x0: {  	(tag) =	ssettag $0x1  }
0x1: {  	s0 =	stileid.u32  }
0x2: {  	s1 =	smin.u32 s0, $0x9  }
0x3: {  	s1 =	sadd.s32 s0, s1  }
0x4: {  	s2 =	simm.s32 $0xA0;
	p0 =	slt.u32 s0, $0x9;
	s1 =	smul.u32 $0x50, s1  }
0x5: {  	s2 =	simm.s32 @!p0 $0x50  }
0x6: {  	s2 =	sadd.s32 s2, s1  }
0x7: {  	s3 =	smin.u32 s2, $0x7D0  }
0x8: {  	s7 =	ssub.s32 s3, s1  }
0x9: {  	p0 =	sgt.s32 s7, $0x0  }
0xa: {  	s7 =	simm.s32 @!p0 $0x0  }
0xb: {  	s9 =	rddreg [dreg:$0x0];
	s31 =	smul.u32 $0xCCCD, s7  }
0xc: {  	s4 =	rddreg [dreg:$0x1];
	s6 =	simm.s32 $0x1  }
0xd: {  	s11 =	simm.s32 $0x3;
	s13 =	simm.s32 $0x0;
	s8 =	sshrl.u32 s31, $0x16  }
0xe: {  	s12 =	simm.s32 $0x0;
	s5 =	sadd.s32 $0x400, s9;
	s10 =	smul.u32 $0x50, s8  }
.Ltmp0:
0xf: {  	s9 =	sadd.s32 $0x8200, s9;
	s2 =	rddreg [dreg:$0x2];
	(pc) =	sbr.rel .LBB2_1-.Ltmp0, $4  }
0x10: {  	_ =	strace $0x80000050;
	p0 =	sne.s32 s7, s10;
	s10 =	simm.s32 $0x1  }
0x11: {  	[sflag:s6] =	ssyncpa.u1 $0x0;
	s7 =	simm.s32 $0x2;
	s10 =	simm.s32 @!p0 $0x0  }
0x12: {  	[sflag:s7] =	ssyncpa.u1 $0x0;
	p0 =	por $0x0, $0x0;
	s8 =	sadd.s32 s8, s10  }
0x13: {  	vm0 =	vmmov $0xff;
	vm1 =	vcmask $0x3F20;
	[sflag:s11] =	ssyncpa.u1 $0x0;
	s11 =	smov.u32 s1;
	s10 =	sadd.s32 $0x1, s8  }
.LBB2_6:
0x14: {  	[hbm:s17] =	stream.linear.scatter [tilespmem:s14], [sflag:$0x3], $0x400, $0x38;
	[tilespmem:$0x50A0] =	vst v63  }
.LBB2_7:
0x15: {  	s13 =	sadd.s32 $0x50, s11  }
0x16: {  	s15 =	smov.u32 s1;
	p2 =	slt.s32 s13, s3  }
0x17: {  	s15 =	smov.u32 @p2 s13;
	p2 =	sne.s32 s12, s10  }
.Ltmp1:
0x18: {  	p1 =	slt.u32 s12, $0x2;
	(pc) =	sbr.rel @!p2 .LBB2_8-.Ltmp1, $4  }
0x19: {  	s14 =	simm.s32 @!p1 $0x3  }
0x1a: {  	s16 =	sadd.s32 $0x1, s12;
	_ =	swait.ge @!p1 [sflag:s14], $0x2800  }
0x1b: {  	p0 =	por !p0, !p0;
	s13 =	smov.u32 s11;
	[sflag:s14] =	ssyncset.done @!p1 $0x0  }
0x1c: {  	s12 =	smov.u32 s16;
	s11 =	smov.u32 s15;
	[sflag:s14] =	ssyncadd.s32 @!p1 $0xFFFFD800  }
.LBB2_1:
0x1d: {  	p1 =	sge.u32 s12, s8  }
0x1e: {  	s14 =	sxor.u32 @!p1 $0xFFFFFFFF, s12  }
0x1f: {  	s14 =	sand.u32 @!p1 $0x1, s14  }
0x20: {  	s14 =	smul.u32 @!p1 $0x140, s14  }
0x21: {  	s31 =	sadd.s32 $0xFFFFFFFF, s12;
	s15 =	sshrl.u32 @!p1 s11, $0x3  }
0x22: {  	s16 =	sand.u32 @!p1 $0x7, s11;
	s15 =	sadd.s32 @!p1 s4, s15;
	s14 =	sshrl.u32 @!p1 s14, $0x2  }
0x23: {  	[tilespmem:s14], [sflag:$0x2] =	stream.linear.gather @!p1 [hbm4b:s15+s16], $0x50, $0x38;
	[tilespmem:$0x50A0] =	vst v63  }
0x24: {  	p1 =	sge.u32 s31, s8  }
.Ltmp2:
0x25: {  	_ = 	snop;
	(pc) =	sbr.rel @p1 .LBB2_7-.Ltmp2, $1  }
0x26: {  	_ =	sdelay $0x3  }
0x27: {  	s14 =	simm.s32 $0x1  }
0x28: {  	s14 =	simm.s32 @!p0 $0x0  }
0x29: {  	s15 =	smul.u32 $0x140, s14  }
0x2a: {  	_ =	swait.ge [sflag:s7], $0x50  }
0x2b: {  	[sflag:s7] =	ssyncset.done $0x0;
	s16 =	sshrl.u32 s15, $0x2  }
0x2c: {  	[sflag:s7] =	ssyncadd.s32 $0xFFFFFFB0;
	s15 =	sadd.s32 $0x0, s16  }
0x2d: {  	v0 =	vld.msk [tilespmem:s15+$0x0 ss:$0x1], $0xffff;
	_ =	sdelay $0x4  }
0x2e: {  	vm2 =	vgt.s32 v0, $0x0  }
0x2f: {  	v0 =	vnsel vm2, $0x0, v0  }
0x30: {  	v0 =	vmin.u32 v0, $0x7CF  }
0x31: {  	v0 =	vshll.u32 v0, $0x4  }
0x32: {  	s14 =	smul.u32 $0xA000, s14;
	_ =	sdelay $0x1  }
0x33: {  	s14 =	sshrl.u32 s14, $0x2  }
0x34: {  	s14 =	sor.u32 $0xA0, s14  }
0x35: {  	[tilespmem:s14], [sflag:$0x1] =	stream.indirect_vreg.gather [hbm:s5], $0x80, v0, vm0, $0x38;
	[tilespmem:$0x50A0] =	vst v63  }
0x36: {  	s17 =	sadd.s32 $0x10, s16;
	s15 =	sadd.s32 $0x400, s14  }
0x37: {  	[tilespmem:s15], [sflag:$0x1] =	stream.indirect_vreg.gather [hbm:s5], $0x80, v0, vm1, $0x38;
	[tilespmem:$0x50A0] =	vst v63  }
0x38: {  	s18 =	simm.s32 $0x80;
	v0 =	vld.msk [tilespmem:s17+$0x0 ss:$0x1], $0xffff;
	s17 =	smov.u32 s14  }
.LBB2_3:
0x39: {  	p1 =	sne.s32 s18, $0x100;
	_ =	sdelay $0x4  }
0x3a: {  	vm2 =	vgt.s32 v0, $0x0  }
0x3b: {  	v0 =	vnsel vm2, $0x0, v0  }
0x3c: {  	v0 =	vmin.u32 v0, $0x7CF  }
0x3d: {  	v0 =	vshll.u32 v0, $0x4;
	_ =	sdelay $0x3  }
.Ltmp3:
0x3e: {  	s19 =	sshra.s32 s18, $0x2;
	s17 =	sadd.s32 $0x800, s17;
	(pc) =	sbr.rel @p1 .LBB2_3-.Ltmp3, $4  }
0x3f: {  	[tilespmem:s17], [sflag:$0x1] =	stream.indirect_vreg.gather [hbm:s5], $0x80, v0, vm0, $0x38;
	[tilespmem:$0x50A0] =	vst v63  }
0x40: {  	s19 =	sadd.s32 s19, s16;
	s20 =	sadd.s32 $0x400, s17  }
0x41: {  	[tilespmem:s20], [sflag:$0x1] =	stream.indirect_vreg.gather [hbm:s5], $0x80, v0, vm1, $0x38;
	[tilespmem:$0x50A0] =	vst v63  }
0x42: {  	s18 =	sadd.s32 $0x40, s18;
	v0 =	vld.msk [tilespmem:s19+$0x0 ss:$0x1], $0xffff  }
0x43: {  	_ =	sdelay $0x3  }
0x44: {  	vm2 =	vgt.s32 v0, $0x0  }
0x45: {  	v0 =	vnsel vm2, $0x0, v0  }
0x46: {  	v0 =	vmin.u32 v0, $0x7CF  }
0x47: {  	v0 =	vshll.u32 v0, $0x4;
	_ =	sdelay $0x3  }
0x48: {  	s16 =	sadd.s32 $0x800, s17  }
0x49: {  	[tilespmem:s16], [sflag:$0x1] =	stream.indirect_vreg.gather [hbm:s5], $0x80, v0, vm0, $0x38;
	[tilespmem:$0x50A0] =	vst v63  }
0x4a: {  	s16 =	sadd.s32 $0x400, s16  }
0x4b: {  	[tilespmem:s16], [sflag:$0x1] =	stream.indirect_vreg.gather [hbm:s5], $0x80, v0, vm1, $0x38;
	[tilespmem:$0x50A0] =	vst v63  }
0x4c: {  	s13 =	sshll.u32 s13, $0x4;
	_ =	swait.ge [sflag:s6], $0x2800  }
0x4d: {  	s13 =	sadd.s32 s13, s9;
	[sflag:s6] =	ssyncset.done $0x0  }
0x4e: {  	s17 =	sadd.s32 $0x0, s13;
	s16 =	simm.s32 $0x80;
	[sflag:s6] =	ssyncadd.s32 $0xFFFFD800  }
.LBB2_5:
0x4f: {  	[hbm:s17] =	stream.linear.scatter [tilespmem:s14], [sflag:$0x3], $0x400, $0x38;
	[tilespmem:$0x50A0] =	vst v63  }
0x50: {  	s17 =	smov.u32 s16;
	s14 =	smov.u32 s15;
	p1 =	sne.s32 s16, $0x480  }
.Ltmp4:
0x51: {  	s16 =	sadd.s32 $0x80, s16;
	(pc) =	sbr.rel @p1 .LBB2_5-.Ltmp4, $2  }
0x52: {  	_ =	sdelay $0x2  }
0x53: {  	s15 =	sadd.s32 $0x400, s15;
	s17 =	sadd.s32 s17, s13  }
.Ltmp5:
0x54: {  	_ = 	snop;
	(pc) =	sbr.rel .LBB2_6-.Ltmp5, $1  }
0x55: {  	_ =	sdelay $0x3  }
.LBB2_8:
0x56: {  	_ =	sfence.sel $0x180000  }
0x57: {  	s1 =	simm.s32 $0x2;
	[bflag:$0x0] =	sbarrier.arrive $0xFFFF  }
0x58: {  	s30 =	simm.s32 $0x3;
	[sflag:s1] =	ssyncpa.u1 $0x1  }
0x59: {  	s31 =	simm.s32 $0x1;
	[sflag:s30] =	ssyncpa.u1 $0x1  }
0x5a: {  	[sflag:s31] =	ssyncpa.u1 $0x1  }
0x5b: {  	p0 =	sne.s32 s0, $0x0;
	_ =	strace $0x90000050  }
0x5c: {  	s0 =	sadd.s32 @!p0 $0x100000, s2;
	[bflag:$0x2] =	sbarrier.arrive $0xFFFF  }
0x5d: {  	[sflag:s0] =	ssyncadd.tile.s32 @!p0 $0x1;
	_ =	shalt  }
.Lfunc_end2:
_tile_overlayer_lowered:
.L_overlay_start_2:
0x5e: {  	(tag) =	ssettag $0x2  }
0x5f: {  	s0 =	rddreg [dreg:$0x0];
	s2 =	stileid.u32  }
0x60: {  	s1 =	rddreg [dreg:$0x1];
	p0 =	sne.s32 s2, $0x0  }
0x61: {  	s3 =	rddreg [dreg:$0x2];
	[bflag:$0x3] =	sbarrier.arrive $0xFFFF;
	s2 =	simm.s32 @!p0 $0x1C01  }
0x62: {  	[timem:s3], [sflag:s2] =	dma.local @!p0 [hbm:s0], s1  }
0x63: {  	s0 =	simm.s32 @!p0 $0x1  }
0x64: {  	_ =	swait.ge @!p0 [sflag:s0], s1  }
0x65: {  	s1 =	ssub.s32 @!p0 $0x0, s1;
	[sflag:s0] =	ssyncset.done @!p0 $0x0  }
0x66: {  	[sflag:s0] =	ssyncadd.s32 @!p0 s1  }
0x67: {  	[bflag:$0x3] =	sbarrier.arrive $0xFFFF  }
0x68: {  	_ =	shalt  }

</sc_bundles>
